<compile_context>
chip_gen: v7x
topology: tpu7x:2x2x1
jax: 0.10.2.dev20260603
libtpu: 0.0.44.dev20260713+nightly
codegen_flags: <defaults>
</compile_context>

<pallas_src>
import functools

import jax
import jax.numpy as jnp
from jax import lax
from jax.experimental import pallas as pl
from jax.experimental.pallas import tpu as pltpu
from jax.experimental.pallas import tpu_sc as plsc

_R, _P, _V = 512, 32, 6890
_N = _R * _P
_VPAD = 7168
_BN = 512
_BV = 1024
_NVT = _VPAD // _BV
_VPAD2 = 6912
_BD = 512

_NC, _NS = 2, 16
_NW = _NC * _NS
_BPW = _N // _NW


def _argmin_body(pts_ref, verts_ref, idx_ref):
    pts = pts_ref[...]
    x2 = ((pts[:, 0:1] * pts[:, 0:1] + pts[:, 1:2] * pts[:, 1:2])
          + pts[:, 2:3] * pts[:, 2:3])
    big = jnp.float32(jnp.inf)
    acc_f = jnp.full((_BN, 1), big, jnp.float32)
    acc_i = jnp.zeros((_BN, 1), jnp.int32)
    lane = lax.broadcasted_iota(jnp.int32, (_BN, _BV), 1)
    pts_b = pts.astype(jnp.bfloat16)
    for i in range(_NVT):
        vt = verts_ref[:, i * _BV:(i + 1) * _BV]
        y2 = ((vt[0:1, :] * vt[0:1, :] + vt[1:2, :] * vt[1:2, :])
              + vt[2:3, :] * vt[2:3, :])
        xy = jnp.dot(pts_b, vt.astype(jnp.bfloat16),
                     preferred_element_type=jnp.float32)
        s = jnp.sqrt(jnp.maximum(x2 + y2 - 2.0 * xy, 0.0))
        gidx = i * _BV + lane
        s = jnp.where(gidx < _V, s, big)
        cm = jnp.min(s, axis=1, keepdims=True)
        ci = jnp.min(jnp.where(s == cm, gidx, jnp.int32(2**31 - 1)),
                     axis=1, keepdims=True)
        acc_i = jnp.where(cm < acc_f, ci, acc_i)
        acc_f = jnp.where(acc_f < cm, acc_f,
                          cm.astype(jnp.bfloat16).astype(jnp.float32))
    idx_ref[0, 0, :] = acc_i[:, 0]


def _nearest_idx(pts8, verts_t):
    out = pl.pallas_call(
        _argmin_body,
        grid=(_N // _BN,),
        in_specs=[
            pl.BlockSpec((_BN, 8), lambda n: (n, 0)),
            pl.BlockSpec((8, _VPAD), lambda n: (0, 0)),
        ],
        out_specs=pl.BlockSpec((1, 1, _BN), lambda n: (n, 0, 0)),
        out_shape=jax.ShapeDtypeStruct((_N // _BN, 1, _BN), jnp.int32),
    )(pts8, verts_t)
    return out.reshape(_N)


def _inv_body(t_ref, o_ref):
    a = [t_ref[i] for i in range(16)]
    (a00, a01, a02, a03,
     a10, a11, a12, a13,
     a20, a21, a22, a23,
     a30, a31, a32, a33) = a
    s0 = a00 * a11 - a10 * a01
    s1 = a00 * a12 - a10 * a02
    s2 = a00 * a13 - a10 * a03
    s3 = a01 * a12 - a11 * a02
    s4 = a01 * a13 - a11 * a03
    s5 = a02 * a13 - a12 * a03
    c5 = a22 * a33 - a32 * a23
    c4 = a21 * a33 - a31 * a23
    c3 = a21 * a32 - a31 * a22
    c2 = a20 * a33 - a30 * a23
    c1 = a20 * a32 - a30 * a22
    c0 = a20 * a31 - a30 * a21
    det = s0 * c5 - s1 * c4 + s2 * c3 + s3 * c2 - s4 * c1 + s5 * c0
    inv_det = 1.0 / det
    b = [
        (a11 * c5 - a12 * c4 + a13 * c3) * inv_det,
        (-a01 * c5 + a02 * c4 - a03 * c3) * inv_det,
        (a31 * s5 - a32 * s4 + a33 * s3) * inv_det,
        (-a21 * s5 + a22 * s4 - a23 * s3) * inv_det,
        (-a10 * c5 + a12 * c2 - a13 * c1) * inv_det,
        (a00 * c5 - a02 * c2 + a03 * c1) * inv_det,
        (-a30 * s5 + a32 * s2 - a33 * s1) * inv_det,
        (a20 * s5 - a22 * s2 + a23 * s1) * inv_det,
        (a10 * c4 - a11 * c2 + a13 * c0) * inv_det,
        (-a00 * c4 + a01 * c2 - a03 * c0) * inv_det,
        (a30 * s4 - a31 * s2 + a33 * s0) * inv_det,
        (-a20 * s4 + a21 * s2 - a23 * s0) * inv_det,
        (-a10 * c3 + a11 * c1 - a12 * c0) * inv_det,
        (a00 * c3 - a01 * c1 + a02 * c0) * inv_det,
        (-a30 * s3 + a31 * s1 - a32 * s0) * inv_det,
        (a20 * s3 - a21 * s1 + a22 * s0) * inv_det,
    ]
    for i in range(16):
        o_ref[i] = b[i]


def _invert_all(t_rows):
    return pl.pallas_call(
        _inv_body,
        out_shape=jax.ShapeDtypeStruct((16, _VPAD2 // 128, 128), jnp.float32),
    )(t_rows)


_GCH = 128
_NCHUNK = _BPW // _GCH


def _sc_gather(table, idx3):
    mesh = plsc.VectorSubcoreMesh(core_axis_name="c", subcore_axis_name="s")

    @functools.partial(
        pl.kernel,
        mesh=mesh,
        out_type=jax.ShapeDtypeStruct((_NW, _BPW, 128), jnp.float32),
        scratch_types=[
            pltpu.VMEM((_NCHUNK, _GCH), jnp.int32),
            pltpu.VMEM((_BPW, 128), jnp.float32),
            pltpu.SemaphoreType.DMA,
        ],
    )
    def gk(table_hbm, idx_hbm, out_hbm, idx_v, rows_v, sem):
        wid = lax.axis_index("s") * _NC + lax.axis_index("c")
        pltpu.sync_copy(idx_hbm.at[wid], idx_v)
        copies = [
            pltpu.async_copy(table_hbm.at[idx_v.at[k]],
                             rows_v.at[pl.ds(k * _GCH, _GCH)], sem)
            for k in range(_NCHUNK)
        ]
        for c in copies:
            c.wait()
        pltpu.sync_copy(rows_v, out_hbm.at[wid])

    return gk(table, idx3)


def _apply_body(pts_ref, tg_ref, op_ref, od_ref):
    pts = pts_ref[...]
    wr = lax.broadcasted_iota(jnp.int32, (8, 16), 0)
    wk = lax.broadcasted_iota(jnp.int32, (8, 16), 1) % 4
    w = jnp.where((wr == wk) & (wk < 3),
                  jnp.where(wk < 2, -1.0, 1.0), 0.0).astype(jnp.float32)
    ek = lax.broadcasted_iota(jnp.int32, (1, 16), 1)
    e = jnp.where(ek % 4 == 3, 1.0, 0.0).astype(jnp.float32)
    sk = lax.broadcasted_iota(jnp.int32, (16, 4), 0)
    si = lax.broadcasted_iota(jnp.int32, (16, 4), 1)
    s = jnp.where(sk // 4 == si, 1.0, 0.0).astype(jnp.float32)
    h_rep = jnp.dot(pts, w, preferred_element_type=jnp.float32,
                    precision=lax.Precision.HIGHEST) + e
    prod = tg_ref[:, :16] * h_rep
    can = jnp.dot(prod, s, preferred_element_type=jnp.float32,
                  precision=lax.Precision.HIGHEST)
    nxt = jnp.roll(can, -1, axis=0)
    prv = jnp.roll(can, 1, axis=0)
    rowi = lax.broadcasted_iota(jnp.int32, (_BD, 4), 0)
    is_last = (rowi % _P) == (_P - 1)
    d = jnp.where(is_last, can - prv, nxt - can)
    lanei = lax.broadcasted_iota(jnp.int32, (_BD, 4), 1)
    d = jnp.where(lanei < 3, d, 0.0)
    n2 = jnp.sum(d * d, axis=1, keepdims=True)
    nrm = jnp.maximum(jnp.sqrt(n2), 1e-12)
    dd = d / nrm
    fl = lax.broadcasted_iota(jnp.int32, (1, 4), 1)
    flip = jnp.where(fl < 2, -1.0, 1.0).astype(jnp.float32)
    op_ref[...] = can * flip
    od_ref[...] = dd * flip


def _apply_all(pts8, tg):
    return pl.pallas_call(
        _apply_body,
        grid=(_N // _BD,),
        in_specs=[
            pl.BlockSpec((_BD, 8), lambda n: (n, 0)),
            pl.BlockSpec((_BD, 128), lambda n: (n, 0)),
        ],
        out_specs=[
            pl.BlockSpec((_BD, 4), lambda n: (n, 0)),
            pl.BlockSpec((_BD, 4), lambda n: (n, 0)),
        ],
        out_shape=[
            jax.ShapeDtypeStruct((_N, 4), jnp.float32),
            jax.ShapeDtypeStruct((_N, 4), jnp.float32),
        ],
    )(pts8, tg)


def kernel(rays_points_world, rays_directions_world, vertices_posed, Ts):
    del rays_directions_world
    pts = rays_points_world.reshape(_N, 3)
    pts8 = jnp.zeros((_N, 8), jnp.float32).at[:, :3].set(pts)
    verts = vertices_posed.reshape(_V, 3)
    verts_t = jnp.zeros((8, _VPAD), jnp.float32).at[:3, :_V].set(verts.T)

    idx = _nearest_idx(pts8, verts_t)

    ts2 = Ts.reshape(_V, 16)
    pad = jnp.tile(jnp.eye(4, dtype=jnp.float32).reshape(1, 16),
                   (_VPAD2 - _V, 1))
    ts_rows = jnp.concatenate([ts2, pad], axis=0).T
    tinv_rows = _invert_all(ts_rows.reshape(16, _VPAD2 // 128, 128))
    table = jnp.zeros((_VPAD2, 128), jnp.float32)
    table = table.at[:, :16].set(tinv_rows.reshape(16, _VPAD2).T)

    idx3 = idx.reshape(_NW, _NCHUNK, _GCH)
    tg = _sc_gather(table, idx3).reshape(_N, 128)

    outp, outd = _apply_all(pts8, tg)
    can_pts = outp[:, :3].reshape(1, _R, 1, _P, 3)
    can_dirs = outd[:, :3].reshape(1, _R, 1, _P, 3)
    return (can_pts, can_dirs)

# --- scband reference (transcript-rebuilt; emitter-appended) ---
"""Pipeline reference for scband-warp-canonical-11991548690891 (READ-ONLY COPY).

The authoritative reference and input builder live on the scoring server;
editing this copy changes nothing except your own understanding.
"""

import jax, jax.numpy as jnp
import numpy as np

R, P, V = 512, 32, 6890


def setup_inputs(seed: int = 0) -> dict:
    key = jax.random.key(seed)
    k1, k2, k3, k4 = jax.random.split(key, 4)
    rays_points_world = jax.random.normal(k1, (1, R, 1, P, 3), dtype=jnp.float32)
    rays_directions_world = jax.random.normal(k2, (1, R, 1, P, 3), dtype=jnp.float32)
    vertices_posed = jax.random.normal(k3, (1, V, 3), dtype=jnp.float32)
    # Ts must be invertible: near-identity rigid-ish transforms (as in posed-body pipelines)
    Ts = 0.1 * jax.random.normal(k4, (1, V, 4, 4), dtype=jnp.float32) + jnp.eye(4, dtype=jnp.float32)[None, None, :, :]
    return {
        "rays_points_world": rays_points_world,
        "rays_directions_world": rays_directions_world,
        "vertices_posed": vertices_posed,
        "Ts": Ts,
    }


def _cdist(x, y):
    # x: [1,N,3], y: [1,V,3] -> [1,N,V] euclidean distances (torch.cdist p=2)
    x2 = jnp.sum(x * x, axis=-1, keepdims=True)            # [1,N,1]
    y2 = jnp.sum(y * y, axis=-1)[:, None, :]               # [1,1,V]
    xy = jnp.einsum('bnd,bvd->bnv', x, y)                  # [1,N,V]
    d2 = jnp.maximum(x2 + y2 - 2.0 * xy, 0.0)
    return jnp.sqrt(d2)


def _warp_points(rays_points_world, vertices_posed, Ts):
    orig_ndim = rays_points_world.ndim
    rp = rays_points_world
    if orig_ndim == 3:
        rp = rp[None]
    orig_shape = rp.shape
    rp_flat = rp.reshape(1, -1, 3)                          # [1,N,3]
    distances = _cdist(rp_flat, vertices_posed)             # [1,N,V]
    res = jnp.argmin(distances, axis=-1)                    # [1,N]
    T_inv = jnp.linalg.inv(Ts)                              # [1,V,4,4]
    res0 = res[0]                                           # [N]
    T_inv_vert = T_inv[:, res0, :, :]                       # [1,N,4,4] gather
    ray_points_xyz = jnp.stack((-rp_flat[..., 0], -rp_flat[..., 1], rp_flat[..., 2]), -1)
    homo = jnp.concatenate([ray_points_xyz, jnp.ones_like(ray_points_xyz[..., 0:1])], axis=-1)
    homo = homo[..., None]                                  # [1,N,4,1]
    can = jnp.einsum('bnij,bnjk->bnik', T_inv_vert, homo)   # bmm per point
    can_pts_xyz = can[..., 0][..., :3]                      # [1,N,3]
    can_pts_xyz = can_pts_xyz.reshape(orig_shape)
    can_dirs_xyz = can_pts_xyz[..., 1:, :] - can_pts_xyz[..., :-1, :]
    can_dirs_xyz = jnp.concatenate([can_dirs_xyz, can_dirs_xyz[..., -1:, :]], axis=-2)
    nrm = jnp.linalg.norm(can_dirs_xyz, axis=-1, keepdims=True)
    can_dirs_xyz = can_dirs_xyz / jnp.maximum(nrm, 1e-12)
    can_pts_py3d = jnp.stack((-can_pts_xyz[..., 0], -can_pts_xyz[..., 1], can_pts_xyz[..., 2]), -1)
    can_dirs_py3d = jnp.stack((-can_dirs_xyz[..., 0], -can_dirs_xyz[..., 1], can_dirs_xyz[..., 2]), -1)
    if orig_ndim == 3:
        can_pts_py3d = can_pts_py3d[0]
        can_dirs_py3d = can_dirs_py3d[0]
    return (can_pts_py3d, can_dirs_py3d)


def reference(rays_points_world, rays_directions_world, vertices_posed, Ts):
    # rays_directions_world is accepted but unused by the original warp_points
    return _warp_points(rays_points_world, vertices_posed, Ts)

if __name__ == "__main__":
    import jax
    _d = setup_inputs()
    print(jax.jit(kernel)(*tuple(_d.values())))

</pallas_src>

<mosaic_0001>
#map = affine_map<(d0, d1) -> (0, 0)>
#map1 = affine_map<(d0, d1) -> (0, 0, 0)>
module attributes {stable_mosaic.version = 14 : i64} {
  func.func @gk(%arg0: i32, %arg1: i32, %arg2: memref<6912x128xf32, #tpu.memory_space<hbm>>, %arg3: memref<32x4x128xi32, #tpu.memory_space<hbm>>, %arg4: memref<32x512x128xf32, #tpu.memory_space<hbm>>, %arg5: memref<4x128xi32, #tpu.memory_space<vmem>>, %arg6: memref<512x128xf32, #tpu.memory_space<vmem>>, %arg7: memref<!tpu.dma_semaphore, #tpu.memory_space<semaphore_mem>>) attributes {dimension_semantics = [#tpu.dimension_semantics<core_parallel>, #tpu.dimension_semantics<subcore_parallel>], iteration_bounds = array<i64: 2, 16>, scalar_prefetch = 0 : i64, scratch_operands = 3 : i64, tpu.core_type = #tpu.core_type<sc_vector_subcore>, window_params = [{transform_indices = #map}, {transform_indices = #map1}, {transform_indices = #map1}]} {
    %mul3A = arith.constant 2 : i32
    %mul3A_0 = arith.muli %arg1, %mul3A : i32
    %add3A = arith.addi %mul3A_0, %arg0 : i32
    "tpu.region"() ({
      %run_scoped3A = tpu.sem_alloc : memref<!tpu.dma_semaphore, #tpu.memory_space<semaphore_mem>>
      %dma_start3A_79 = arith.constant 0 : i32
      %dma_start3A_80 = arith.constant 0 : i32
      %dma_start3A_81 = tpu.memref_slice %arg3[%add3A, %dma_start3A_79, %dma_start3A_80] : memref<32x4x128xi32, #tpu.memory_space<hbm>> -> memref<1x4x128xi32, #tpu.memory_space<hbm>>
      %dma_start3A_82 = tpu.memref_squeeze %dma_start3A_81 : memref<1x4x128xi32, #tpu.memory_space<hbm>> -> memref<4x128xi32, #tpu.memory_space<hbm>>
      %dma_start3A_83 = arith.constant 0 : i32
      %dma_start3A_84 = arith.constant 0 : i32
      %dma_start3A_85 = tpu.memref_slice %arg3[%add3A, %dma_start3A_83, %dma_start3A_84] : memref<32x4x128xi32, #tpu.memory_space<hbm>> -> memref<1x4x128xi32, #tpu.memory_space<hbm>>
      %dma_start3A_86 = tpu.memref_squeeze %dma_start3A_85 : memref<1x4x128xi32, #tpu.memory_space<hbm>> -> memref<4x128xi32, #tpu.memory_space<hbm>>
      tpu.enqueue_dma source(%dma_start3A_86 : memref<4x128xi32, #tpu.memory_space<hbm>>) target(%arg5 : memref<4x128xi32, #tpu.memory_space<vmem>>) target_semaphore(%run_scoped3A : memref<!tpu.dma_semaphore, #tpu.memory_space<semaphore_mem>>)
      %dma_wait3A_87 = arith.constant 0 : i32
      %dma_wait3A_88 = arith.constant 0 : i32
      %dma_wait3A_89 = tpu.memref_slice %arg3[%add3A, %dma_wait3A_87, %dma_wait3A_88] : memref<32x4x128xi32, #tpu.memory_space<hbm>> -> memref<1x4x128xi32, #tpu.memory_space<hbm>>
      %dma_wait3A_90 = tpu.memref_squeeze %dma_wait3A_89 : memref<1x4x128xi32, #tpu.memory_space<hbm>> -> memref<4x128xi32, #tpu.memory_space<hbm>>
      %dma_wait3A_91 = arith.constant 0 : i32
      %dma_wait3A_92 = arith.constant 0 : i32
      %dma_wait3A_93 = tpu.memref_slice %arg3[%add3A, %dma_wait3A_91, %dma_wait3A_92] : memref<32x4x128xi32, #tpu.memory_space<hbm>> -> memref<1x4x128xi32, #tpu.memory_space<hbm>>
      %dma_wait3A_94 = tpu.memref_squeeze %dma_wait3A_93 : memref<1x4x128xi32, #tpu.memory_space<hbm>> -> memref<4x128xi32, #tpu.memory_space<hbm>>
      tpu.wait_dma2 semaphore(%run_scoped3A : memref<!tpu.dma_semaphore, #tpu.memory_space<semaphore_mem>>) src(%dma_wait3A_94 : memref<4x128xi32, #tpu.memory_space<hbm>>) dst(%arg5 : memref<4x128xi32, #tpu.memory_space<vmem>>)
      tpu.yield
    }) : () -> ()
    %dma_start3A = arith.constant 0 : i32
    %dma_start3A_1 = arith.constant 0 : i32
    %dma_start3A_2 = arith.constant 0 : i32
    %dma_start3A_3 = tpu.memref_slice %arg6[%dma_start3A_1, %dma_start3A_2] : memref<512x128xf32, #tpu.memory_space<vmem>> -> memref<128x128xf32, #tpu.memory_space<vmem>>
    %dma_start3A_4 = arith.constant 0 : i32
    %dma_start3A_5 = tpu.memref_slice %arg5[%dma_start3A, %dma_start3A_4] : memref<4x128xi32, #tpu.memory_space<vmem>> -> memref<1x128xi32, #tpu.memory_space<vmem>>
    %dma_start3A_6 = tpu.memref_squeeze %dma_start3A_5 : memref<1x128xi32, #tpu.memory_space<vmem>> -> memref<128xi32, #tpu.memory_space<vmem>>
    %dma_start3A_7 = arith.constant 0 : i32
    %dma_start3A_8 = arith.constant 0 : i32
    %dma_start3A_9 = tpu.memref_slice %arg2[%dma_start3A_7, %dma_start3A_8] : memref<6912x128xf32, #tpu.memory_space<hbm>> -> memref<6912x128xf32, #tpu.memory_space<hbm>>
    tpu.enqueue_indirect_dma source(%dma_start3A_9 : memref<6912x128xf32, #tpu.memory_space<hbm>>) target(%dma_start3A_3 : memref<128x128xf32, #tpu.memory_space<vmem>>) offsets(%dma_start3A_6 : memref<128xi32, #tpu.memory_space<vmem>>) semaphore(%arg7 : memref<!tpu.dma_semaphore, #tpu.memory_space<semaphore_mem>>)
    %dma_start3A_10 = arith.constant 1 : i32
    %dma_start3A_11 = arith.constant 128 : i32
    %dma_start3A_12 = arith.constant 0 : i32
    %dma_start3A_13 = tpu.memref_slice %arg6[%dma_start3A_11, %dma_start3A_12] : memref<512x128xf32, #tpu.memory_space<vmem>> -> memref<128x128xf32, #tpu.memory_space<vmem>>
    %dma_start3A_14 = arith.constant 0 : i32
    %dma_start3A_15 = tpu.memref_slice %arg5[%dma_start3A_10, %dma_start3A_14] : memref<4x128xi32, #tpu.memory_space<vmem>> -> memref<1x128xi32, #tpu.memory_space<vmem>>
    %dma_start3A_16 = tpu.memref_squeeze %dma_start3A_15 : memref<1x128xi32, #tpu.memory_space<vmem>> -> memref<128xi32, #tpu.memory_space<vmem>>
    %dma_start3A_17 = arith.constant 0 : i32
    %dma_start3A_18 = arith.constant 0 : i32
    %dma_start3A_19 = tpu.memref_slice %arg2[%dma_start3A_17, %dma_start3A_18] : memref<6912x128xf32, #tpu.memory_space<hbm>> -> memref<6912x128xf32, #tpu.memory_space<hbm>>
    tpu.enqueue_indirect_dma source(%dma_start3A_19 : memref<6912x128xf32, #tpu.memory_space<hbm>>) target(%dma_start3A_13 : memref<128x128xf32, #tpu.memory_space<vmem>>) offsets(%dma_start3A_16 : memref<128xi32, #tpu.memory_space<vmem>>) semaphore(%arg7 : memref<!tpu.dma_semaphore, #tpu.memory_space<semaphore_mem>>)
    %dma_start3A_20 = arith.constant 2 : i32
    %dma_start3A_21 = arith.constant 256 : i32
    %dma_start3A_22 = arith.constant 0 : i32
    %dma_start3A_23 = tpu.memref_slice %arg6[%dma_start3A_21, %dma_start3A_22] : memref<512x128xf32, #tpu.memory_space<vmem>> -> memref<128x128xf32, #tpu.memory_space<vmem>>
    %dma_start3A_24 = arith.constant 0 : i32
    %dma_start3A_25 = tpu.memref_slice %arg5[%dma_start3A_20, %dma_start3A_24] : memref<4x128xi32, #tpu.memory_space<vmem>> -> memref<1x128xi32, #tpu.memory_space<vmem>>
    %dma_start3A_26 = tpu.memref_squeeze %dma_start3A_25 : memref<1x128xi32, #tpu.memory_space<vmem>> -> memref<128xi32, #tpu.memory_space<vmem>>
    %dma_start3A_27 = arith.constant 0 : i32
    %dma_start3A_28 = arith.constant 0 : i32
    %dma_start3A_29 = tpu.memref_slice %arg2[%dma_start3A_27, %dma_start3A_28] : memref<6912x128xf32, #tpu.memory_space<hbm>> -> memref<6912x128xf32, #tpu.memory_space<hbm>>
    tpu.enqueue_indirect_dma source(%dma_start3A_29 : memref<6912x128xf32, #tpu.memory_space<hbm>>) target(%dma_start3A_23 : memref<128x128xf32, #tpu.memory_space<vmem>>) offsets(%dma_start3A_26 : memref<128xi32, #tpu.memory_space<vmem>>) semaphore(%arg7 : memref<!tpu.dma_semaphore, #tpu.memory_space<semaphore_mem>>)
    %dma_start3A_30 = arith.constant 3 : i32
    %dma_start3A_31 = arith.constant 384 : i32
    %dma_start3A_32 = arith.constant 0 : i32
    %dma_start3A_33 = tpu.memref_slice %arg6[%dma_start3A_31, %dma_start3A_32] : memref<512x128xf32, #tpu.memory_space<vmem>> -> memref<128x128xf32, #tpu.memory_space<vmem>>
    %dma_start3A_34 = arith.constant 0 : i32
    %dma_start3A_35 = tpu.memref_slice %arg5[%dma_start3A_30, %dma_start3A_34] : memref<4x128xi32, #tpu.memory_space<vmem>> -> memref<1x128xi32, #tpu.memory_space<vmem>>
    %dma_start3A_36 = tpu.memref_squeeze %dma_start3A_35 : memref<1x128xi32, #tpu.memory_space<vmem>> -> memref<128xi32, #tpu.memory_space<vmem>>
    %dma_start3A_37 = arith.constant 0 : i32
    %dma_start3A_38 = arith.constant 0 : i32
    %dma_start3A_39 = tpu.memref_slice %arg2[%dma_start3A_37, %dma_start3A_38] : memref<6912x128xf32, #tpu.memory_space<hbm>> -> memref<6912x128xf32, #tpu.memory_space<hbm>>
    tpu.enqueue_indirect_dma source(%dma_start3A_39 : memref<6912x128xf32, #tpu.memory_space<hbm>>) target(%dma_start3A_33 : memref<128x128xf32, #tpu.memory_space<vmem>>) offsets(%dma_start3A_36 : memref<128xi32, #tpu.memory_space<vmem>>) semaphore(%arg7 : memref<!tpu.dma_semaphore, #tpu.memory_space<semaphore_mem>>)
    %dma_wait3A = arith.constant 0 : i32
    %dma_wait3A_40 = arith.constant 0 : i32
    %dma_wait3A_41 = arith.constant 0 : i32
    %dma_wait3A_42 = tpu.memref_slice %arg6[%dma_wait3A_40, %dma_wait3A_41] : memref<512x128xf32, #tpu.memory_space<vmem>> -> memref<128x128xf32, #tpu.memory_space<vmem>>
    %dma_wait3A_43 = arith.constant 0 : i32
    %dma_wait3A_44 = tpu.memref_slice %arg5[%dma_wait3A, %dma_wait3A_43] : memref<4x128xi32, #tpu.memory_space<vmem>> -> memref<1x128xi32, #tpu.memory_space<vmem>>
    %dma_wait3A_45 = tpu.memref_squeeze %dma_wait3A_44 : memref<1x128xi32, #tpu.memory_space<vmem>> -> memref<128xi32, #tpu.memory_space<vmem>>
    %dma_wait3A_46 = arith.constant 0 : i32
    %dma_wait3A_47 = arith.constant 0 : i32
    %dma_wait3A_48 = tpu.memref_slice %arg2[%dma_wait3A_46, %dma_wait3A_47] : memref<6912x128xf32, #tpu.memory_space<hbm>> -> memref<6912x128xf32, #tpu.memory_space<hbm>>
    tpu.wait_indirect_dma semaphore(%arg7 : memref<!tpu.dma_semaphore, #tpu.memory_space<semaphore_mem>>) src(%dma_wait3A_48 : memref<6912x128xf32, #tpu.memory_space<hbm>>) dst(%dma_wait3A_42 : memref<128x128xf32, #tpu.memory_space<vmem>>)
    %dma_wait3A_49 = arith.constant 1 : i32
    %dma_wait3A_50 = arith.constant 128 : i32
    %dma_wait3A_51 = arith.constant 0 : i32
    %dma_wait3A_52 = tpu.memref_slice %arg6[%dma_wait3A_50, %dma_wait3A_51] : memref<512x128xf32, #tpu.memory_space<vmem>> -> memref<128x128xf32, #tpu.memory_space<vmem>>
    %dma_wait3A_53 = arith.constant 0 : i32
    %dma_wait3A_54 = tpu.memref_slice %arg5[%dma_wait3A_49, %dma_wait3A_53] : memref<4x128xi32, #tpu.memory_space<vmem>> -> memref<1x128xi32, #tpu.memory_space<vmem>>
    %dma_wait3A_55 = tpu.memref_squeeze %dma_wait3A_54 : memref<1x128xi32, #tpu.memory_space<vmem>> -> memref<128xi32, #tpu.memory_space<vmem>>
    %dma_wait3A_56 = arith.constant 0 : i32
    %dma_wait3A_57 = arith.constant 0 : i32
    %dma_wait3A_58 = tpu.memref_slice %arg2[%dma_wait3A_56, %dma_wait3A_57] : memref<6912x128xf32, #tpu.memory_space<hbm>> -> memref<6912x128xf32, #tpu.memory_space<hbm>>
    tpu.wait_indirect_dma semaphore(%arg7 : memref<!tpu.dma_semaphore, #tpu.memory_space<semaphore_mem>>) src(%dma_wait3A_58 : memref<6912x128xf32, #tpu.memory_space<hbm>>) dst(%dma_wait3A_52 : memref<128x128xf32, #tpu.memory_space<vmem>>)
    %dma_wait3A_59 = arith.constant 2 : i32
    %dma_wait3A_60 = arith.constant 256 : i32
    %dma_wait3A_61 = arith.constant 0 : i32
    %dma_wait3A_62 = tpu.memref_slice %arg6[%dma_wait3A_60, %dma_wait3A_61] : memref<512x128xf32, #tpu.memory_space<vmem>> -> memref<128x128xf32, #tpu.memory_space<vmem>>
    %dma_wait3A_63 = arith.constant 0 : i32
    %dma_wait3A_64 = tpu.memref_slice %arg5[%dma_wait3A_59, %dma_wait3A_63] : memref<4x128xi32, #tpu.memory_space<vmem>> -> memref<1x128xi32, #tpu.memory_space<vmem>>
    %dma_wait3A_65 = tpu.memref_squeeze %dma_wait3A_64 : memref<1x128xi32, #tpu.memory_space<vmem>> -> memref<128xi32, #tpu.memory_space<vmem>>
    %dma_wait3A_66 = arith.constant 0 : i32
    %dma_wait3A_67 = arith.constant 0 : i32
    %dma_wait3A_68 = tpu.memref_slice %arg2[%dma_wait3A_66, %dma_wait3A_67] : memref<6912x128xf32, #tpu.memory_space<hbm>> -> memref<6912x128xf32, #tpu.memory_space<hbm>>
    tpu.wait_indirect_dma semaphore(%arg7 : memref<!tpu.dma_semaphore, #tpu.memory_space<semaphore_mem>>) src(%dma_wait3A_68 : memref<6912x128xf32, #tpu.memory_space<hbm>>) dst(%dma_wait3A_62 : memref<128x128xf32, #tpu.memory_space<vmem>>)
    %dma_wait3A_69 = arith.constant 3 : i32
    %dma_wait3A_70 = arith.constant 384 : i32
    %dma_wait3A_71 = arith.constant 0 : i32
    %dma_wait3A_72 = tpu.memref_slice %arg6[%dma_wait3A_70, %dma_wait3A_71] : memref<512x128xf32, #tpu.memory_space<vmem>> -> memref<128x128xf32, #tpu.memory_space<vmem>>
    %dma_wait3A_73 = arith.constant 0 : i32
    %dma_wait3A_74 = tpu.memref_slice %arg5[%dma_wait3A_69, %dma_wait3A_73] : memref<4x128xi32, #tpu.memory_space<vmem>> -> memref<1x128xi32, #tpu.memory_space<vmem>>
    %dma_wait3A_75 = tpu.memref_squeeze %dma_wait3A_74 : memref<1x128xi32, #tpu.memory_space<vmem>> -> memref<128xi32, #tpu.memory_space<vmem>>
    %dma_wait3A_76 = arith.constant 0 : i32
    %dma_wait3A_77 = arith.constant 0 : i32
    %dma_wait3A_78 = tpu.memref_slice %arg2[%dma_wait3A_76, %dma_wait3A_77] : memref<6912x128xf32, #tpu.memory_space<hbm>> -> memref<6912x128xf32, #tpu.memory_space<hbm>>
    tpu.wait_indirect_dma semaphore(%arg7 : memref<!tpu.dma_semaphore, #tpu.memory_space<semaphore_mem>>) src(%dma_wait3A_78 : memref<6912x128xf32, #tpu.memory_space<hbm>>) dst(%dma_wait3A_72 : memref<128x128xf32, #tpu.memory_space<vmem>>)
    "tpu.region"() ({
      %run_scoped3A = tpu.sem_alloc : memref<!tpu.dma_semaphore, #tpu.memory_space<semaphore_mem>>
      %dma_start3A_79 = arith.constant 0 : i32
      %dma_start3A_80 = arith.constant 0 : i32
      %dma_start3A_81 = tpu.memref_slice %arg4[%add3A, %dma_start3A_79, %dma_start3A_80] : memref<32x512x128xf32, #tpu.memory_space<hbm>> -> memref<1x512x128xf32, #tpu.memory_space<hbm>>
      %dma_start3A_82 = tpu.memref_squeeze %dma_start3A_81 : memref<1x512x128xf32, #tpu.memory_space<hbm>> -> memref<512x128xf32, #tpu.memory_space<hbm>>
      %dma_start3A_83 = arith.constant 0 : i32
      %dma_start3A_84 = arith.constant 0 : i32
      %dma_start3A_85 = tpu.memref_slice %arg4[%add3A, %dma_start3A_83, %dma_start3A_84] : memref<32x512x128xf32, #tpu.memory_space<hbm>> -> memref<1x512x128xf32, #tpu.memory_space<hbm>>
      %dma_start3A_86 = tpu.memref_squeeze %dma_start3A_85 : memref<1x512x128xf32, #tpu.memory_space<hbm>> -> memref<512x128xf32, #tpu.memory_space<hbm>>
      tpu.enqueue_dma source(%arg6 : memref<512x128xf32, #tpu.memory_space<vmem>>) target(%dma_start3A_86 : memref<512x128xf32, #tpu.memory_space<hbm>>) target_semaphore(%run_scoped3A : memref<!tpu.dma_semaphore, #tpu.memory_space<semaphore_mem>>)
      %dma_wait3A_87 = arith.constant 0 : i32
      %dma_wait3A_88 = arith.constant 0 : i32
      %dma_wait3A_89 = tpu.memref_slice %arg4[%add3A, %dma_wait3A_87, %dma_wait3A_88] : memref<32x512x128xf32, #tpu.memory_space<hbm>> -> memref<1x512x128xf32, #tpu.memory_space<hbm>>
      %dma_wait3A_90 = tpu.memref_squeeze %dma_wait3A_89 : memref<1x512x128xf32, #tpu.memory_space<hbm>> -> memref<512x128xf32, #tpu.memory_space<hbm>>
      %dma_wait3A_91 = arith.constant 0 : i32
      %dma_wait3A_92 = arith.constant 0 : i32
      %dma_wait3A_93 = tpu.memref_slice %arg4[%add3A, %dma_wait3A_91, %dma_wait3A_92] : memref<32x512x128xf32, #tpu.memory_space<hbm>> -> memref<1x512x128xf32, #tpu.memory_space<hbm>>
      %dma_wait3A_94 = tpu.memref_squeeze %dma_wait3A_93 : memref<1x512x128xf32, #tpu.memory_space<hbm>> -> memref<512x128xf32, #tpu.memory_space<hbm>>
      tpu.wait_dma2 semaphore(%run_scoped3A : memref<!tpu.dma_semaphore, #tpu.memory_space<semaphore_mem>>) src(%arg6 : memref<512x128xf32, #tpu.memory_space<vmem>>) dst(%dma_wait3A_94 : memref<512x128xf32, #tpu.memory_space<hbm>>)
      tpu.yield
    }) : () -> ()
    return
  }
}

module attributes {stable_mosaic.version = 14 : i64} {
  func.func @_inv_body(%arg0: memref<16x54x128xf32, #tpu.memory_space<vmem>>, %arg1: memref<16x54x128xf32, #tpu.memory_space<vmem>>) attributes {dimension_semantics = [], scalar_prefetch = 0 : i64, scratch_operands = 0 : i64, tpu.core_type = #tpu.core_type<tc>} {
    %get3A = arith.constant 0 : index
    %get3A_0 = arith.constant 0 : index
    %get3A_1 = arith.constant 0 : index
    %get3A_2 = vector.load %arg0[%get3A, %get3A_0, %get3A_1] : memref<16x54x128xf32, #tpu.memory_space<vmem>>, vector<1x54x128xf32>
    %get3A_3 = vector.shape_cast %get3A_2 : vector<1x54x128xf32> to vector<54x128xf32>
    %get3A_4 = arith.constant 1 : index
    %get3A_5 = arith.constant 0 : index
    %get3A_6 = arith.constant 0 : index
    %get3A_7 = vector.load %arg0[%get3A_4, %get3A_5, %get3A_6] : memref<16x54x128xf32, #tpu.memory_space<vmem>>, vector<1x54x128xf32>
    %get3A_8 = vector.shape_cast %get3A_7 : vector<1x54x128xf32> to vector<54x128xf32>
    %get3A_9 = arith.constant 2 : index
    %get3A_10 = arith.constant 0 : index
    %get3A_11 = arith.constant 0 : index
    %get3A_12 = vector.load %arg0[%get3A_9, %get3A_10, %get3A_11] : memref<16x54x128xf32, #tpu.memory_space<vmem>>, vector<1x54x128xf32>
    %get3A_13 = vector.shape_cast %get3A_12 : vector<1x54x128xf32> to vector<54x128xf32>
    %get3A_14 = arith.constant 3 : index
    %get3A_15 = arith.constant 0 : index
    %get3A_16 = arith.constant 0 : index
    %get3A_17 = vector.load %arg0[%get3A_14, %get3A_15, %get3A_16] : memref<16x54x128xf32, #tpu.memory_space<vmem>>, vector<1x54x128xf32>
    %get3A_18 = vector.shape_cast %get3A_17 : vector<1x54x128xf32> to vector<54x128xf32>
    %get3A_19 = arith.constant 4 : index
    %get3A_20 = arith.constant 0 : index
    %get3A_21 = arith.constant 0 : index
    %get3A_22 = vector.load %arg0[%get3A_19, %get3A_20, %get3A_21] : memref<16x54x128xf32, #tpu.memory_space<vmem>>, vector<1x54x128xf32>
    %get3A_23 = vector.shape_cast %get3A_22 : vector<1x54x128xf32> to vector<54x128xf32>
    %get3A_24 = arith.constant 5 : index
    %get3A_25 = arith.constant 0 : index
    %get3A_26 = arith.constant 0 : index
    %get3A_27 = vector.load %arg0[%get3A_24, %get3A_25, %get3A_26] : memref<16x54x128xf32, #tpu.memory_space<vmem>>, vector<1x54x128xf32>
    %get3A_28 = vector.shape_cast %get3A_27 : vector<1x54x128xf32> to vector<54x128xf32>
    %get3A_29 = arith.constant 6 : index
    %get3A_30 = arith.constant 0 : index
    %get3A_31 = arith.constant 0 : index
    %get3A_32 = vector.load %arg0[%get3A_29, %get3A_30, %get3A_31] : memref<16x54x128xf32, #tpu.memory_space<vmem>>, vector<1x54x128xf32>
    %get3A_33 = vector.shape_cast %get3A_32 : vector<1x54x128xf32> to vector<54x128xf32>
    %get3A_34 = arith.constant 7 : index
    %get3A_35 = arith.constant 0 : index
    %get3A_36 = arith.constant 0 : index
    %get3A_37 = vector.load %arg0[%get3A_34, %get3A_35, %get3A_36] : memref<16x54x128xf32, #tpu.memory_space<vmem>>, vector<1x54x128xf32>
    %get3A_38 = vector.shape_cast %get3A_37 : vector<1x54x128xf32> to vector<54x128xf32>
    %get3A_39 = arith.constant 8 : index
    %get3A_40 = arith.constant 0 : index
    %get3A_41 = arith.constant 0 : index
    %get3A_42 = vector.load %arg0[%get3A_39, %get3A_40, %get3A_41] : memref<16x54x128xf32, #tpu.memory_space<vmem>>, vector<1x54x128xf32>
    %get3A_43 = vector.shape_cast %get3A_42 : vector<1x54x128xf32> to vector<54x128xf32>
    %get3A_44 = arith.constant 9 : index
    %get3A_45 = arith.constant 0 : index
    %get3A_46 = arith.constant 0 : index
    %get3A_47 = vector.load %arg0[%get3A_44, %get3A_45, %get3A_46] : memref<16x54x128xf32, #tpu.memory_space<vmem>>, vector<1x54x128xf32>
    %get3A_48 = vector.shape_cast %get3A_47 : vector<1x54x128xf32> to vector<54x128xf32>
    %get3A_49 = arith.constant 10 : index
    %get3A_50 = arith.constant 0 : index
    %get3A_51 = arith.constant 0 : index
    %get3A_52 = vector.load %arg0[%get3A_49, %get3A_50, %get3A_51] : memref<16x54x128xf32, #tpu.memory_space<vmem>>, vector<1x54x128xf32>
    %get3A_53 = vector.shape_cast %get3A_52 : vector<1x54x128xf32> to vector<54x128xf32>
    %get3A_54 = arith.constant 11 : index
    %get3A_55 = arith.constant 0 : index
    %get3A_56 = arith.constant 0 : index
    %get3A_57 = vector.load %arg0[%get3A_54, %get3A_55, %get3A_56] : memref<16x54x128xf32, #tpu.memory_space<vmem>>, vector<1x54x128xf32>
    %get3A_58 = vector.shape_cast %get3A_57 : vector<1x54x128xf32> to vector<54x128xf32>
    %get3A_59 = arith.constant 12 : index
    %get3A_60 = arith.constant 0 : index
    %get3A_61 = arith.constant 0 : index
    %get3A_62 = vector.load %arg0[%get3A_59, %get3A_60, %get3A_61] : memref<16x54x128xf32, #tpu.memory_space<vmem>>, vector<1x54x128xf32>
    %get3A_63 = vector.shape_cast %get3A_62 : vector<1x54x128xf32> to vector<54x128xf32>
    %get3A_64 = arith.constant 13 : index
    %get3A_65 = arith.constant 0 : index
    %get3A_66 = arith.constant 0 : index
    %get3A_67 = vector.load %arg0[%get3A_64, %get3A_65, %get3A_66] : memref<16x54x128xf32, #tpu.memory_space<vmem>>, vector<1x54x128xf32>
    %get3A_68 = vector.shape_cast %get3A_67 : vector<1x54x128xf32> to vector<54x128xf32>
    %get3A_69 = arith.constant 14 : index
    %get3A_70 = arith.constant 0 : index
    %get3A_71 = arith.constant 0 : index
    %get3A_72 = vector.load %arg0[%get3A_69, %get3A_70, %get3A_71] : memref<16x54x128xf32, #tpu.memory_space<vmem>>, vector<1x54x128xf32>
    %get3A_73 = vector.shape_cast %get3A_72 : vector<1x54x128xf32> to vector<54x128xf32>
    %get3A_74 = arith.constant 15 : index
    %get3A_75 = arith.constant 0 : index
    %get3A_76 = arith.constant 0 : index
    %get3A_77 = vector.load %arg0[%get3A_74, %get3A_75, %get3A_76] : memref<16x54x128xf32, #tpu.memory_space<vmem>>, vector<1x54x128xf32>
    %get3A_78 = vector.shape_cast %get3A_77 : vector<1x54x128xf32> to vector<54x128xf32>
    %mul3A = arith.mulf %get3A_3, %get3A_28 : vector<54x128xf32>
    %mul3A_79 = arith.mulf %get3A_23, %get3A_8 : vector<54x128xf32>
    %sub3A = arith.subf %mul3A, %mul3A_79 : vector<54x128xf32>
    %mul3A_80 = arith.mulf %get3A_3, %get3A_33 : vector<54x128xf32>
    %mul3A_81 = arith.mulf %get3A_23, %get3A_13 : vector<54x128xf32>
    %sub3A_82 = arith.subf %mul3A_80, %mul3A_81 : vector<54x128xf32>
    %mul3A_83 = arith.mulf %get3A_3, %get3A_38 : vector<54x128xf32>
    %mul3A_84 = arith.mulf %get3A_23, %get3A_18 : vector<54x128xf32>
    %sub3A_85 = arith.subf %mul3A_83, %mul3A_84 : vector<54x128xf32>
    %mul3A_86 = arith.mulf %get3A_8, %get3A_33 : vector<54x128xf32>
    %mul3A_87 = arith.mulf %get3A_28, %get3A_13 : vector<54x128xf32>
    %sub3A_88 = arith.subf %mul3A_86, %mul3A_87 : vector<54x128xf32>
    %mul3A_89 = arith.mulf %get3A_8, %get3A_38 : vector<54x128xf32>
    %mul3A_90 = arith.mulf %get3A_28, %get3A_18 : vector<54x128xf32>
    %sub3A_91 = arith.subf %mul3A_89, %mul3A_90 : vector<54x128xf32>
    %mul3A_92 = arith.mulf %get3A_13, %get3A_38 : vector<54x128xf32>
    %mul3A_93 = arith.mulf %get3A_33, %get3A_18 : vector<54x128xf32>
    %sub3A_94 = arith.subf %mul3A_92, %mul3A_93 : vector<54x128xf32>
    %mul3A_95 = arith.mulf %get3A_53, %get3A_78 : vector<54x128xf32>
    %mul3A_96 = arith.mulf %get3A_73, %get3A_58 : vector<54x128xf32>
    %sub3A_97 = arith.subf %mul3A_95, %mul3A_96 : vector<54x128xf32>
    %mul3A_98 = arith.mulf %get3A_48, %get3A_78 : vector<54x128xf32>
    %mul3A_99 = arith.mulf %get3A_68, %get3A_58 : vector<54x128xf32>
    %sub3A_100 = arith.subf %mul3A_98, %mul3A_99 : vector<54x128xf32>
    %mul3A_101 = arith.mulf %get3A_48, %get3A_73 : vector<54x128xf32>
    %mul3A_102 = arith.mulf %get3A_68, %get3A_53 : vector<54x128xf32>
    %sub3A_103 = arith.subf %mul3A_101, %mul3A_102 : vector<54x128xf32>
    %mul3A_104 = arith.mulf %get3A_43, %get3A_78 : vector<54x128xf32>
    %mul3A_105 = arith.mulf %get3A_63, %get3A_58 : vector<54x128xf32>
    %sub3A_106 = arith.subf %mul3A_104, %mul3A_105 : vector<54x128xf32>
    %mul3A_107 = arith.mulf %get3A_43, %get3A_73 : vector<54x128xf32>
    %mul3A_108 = arith.mulf %get3A_63, %get3A_53 : vector<54x128xf32>
    %sub3A_109 = arith.subf %mul3A_107, %mul3A_108 : vector<54x128xf32>
    %mul3A_110 = arith.mulf %get3A_43, %get3A_68 : vector<54x128xf32>
    %mul3A_111 = arith.mulf %get3A_63, %get3A_48 : vector<54x128xf32>
    %sub3A_112 = arith.subf %mul3A_110, %mul3A_111 : vector<54x128xf32>
    %mul3A_113 = arith.mulf %sub3A, %sub3A_97 : vector<54x128xf32>
    %mul3A_114 = arith.mulf %sub3A_82, %sub3A_100 : vector<54x128xf32>
    %sub3A_115 = arith.subf %mul3A_113, %mul3A_114 : vector<54x128xf32>
    %mul3A_116 = arith.mulf %sub3A_85, %sub3A_103 : vector<54x128xf32>
    %add3A = arith.addf %sub3A_115, %mul3A_116 : vector<54x128xf32>
    %mul3A_117 = arith.mulf %sub3A_88, %sub3A_106 : vector<54x128xf32>
    %add3A_118 = arith.addf %add3A, %mul3A_117 : vector<54x128xf32>
    %mul3A_119 = arith.mulf %sub3A_91, %sub3A_109 : vector<54x128xf32>
    %sub3A_120 = arith.subf %add3A_118, %mul3A_119 : vector<54x128xf32>
    %mul3A_121 = arith.mulf %sub3A_94, %sub3A_112 : vector<54x128xf32>
    %add3A_122 = arith.addf %sub3A_120, %mul3A_121 : vector<54x128xf32>
    %div3A = arith.constant 1.000000e+00 : f32
    %div3A_123 = vector.broadcast %div3A : f32 to vector<54x128xf32>
    %div3A_124 = arith.divf %div3A_123, %add3A_122 : vector<54x128xf32>
    %mul3A_125 = arith.mulf %get3A_28, %sub3A_97 : vector<54x128xf32>
    %mul3A_126 = arith.mulf %get3A_33, %sub3A_100 : vector<54x128xf32>
    %sub3A_127 = arith.subf %mul3A_125, %mul3A_126 : vector<54x128xf32>
    %mul3A_128 = arith.mulf %get3A_38, %sub3A_103 : vector<54x128xf32>
    %add3A_129 = arith.addf %sub3A_127, %mul3A_128 : vector<54x128xf32>
    %mul3A_130 = arith.mulf %add3A_129, %div3A_124 : vector<54x128xf32>
    %neg3A = arith.constant 0.000000e+00 : f32
    %neg3A_131 = vector.broadcast %neg3A : f32 to vector<54x128xf32>
    %neg3A_132 = arith.subf %neg3A_131, %get3A_8 : vector<54x128xf32>
    %mul3A_133 = arith.mulf %neg3A_132, %sub3A_97 : vector<54x128xf32>
    %mul3A_134 = arith.mulf %get3A_13, %sub3A_100 : vector<54x128xf32>
    %add3A_135 = arith.addf %mul3A_133, %mul3A_134 : vector<54x128xf32>
    %mul3A_136 = arith.mulf %get3A_18, %sub3A_103 : vector<54x128xf32>
    %sub3A_137 = arith.subf %add3A_135, %mul3A_136 : vector<54x128xf32>
    %mul3A_138 = arith.mulf %sub3A_137, %div3A_124 : vector<54x128xf32>
    %mul3A_139 = arith.mulf %get3A_68, %sub3A_94 : vector<54x128xf32>
    %mul3A_140 = arith.mulf %get3A_73, %sub3A_91 : vector<54x128xf32>
    %sub3A_141 = arith.subf %mul3A_139, %mul3A_140 : vector<54x128xf32>
    %mul3A_142 = arith.mulf %get3A_78, %sub3A_88 : vector<54x128xf32>
    %add3A_143 = arith.addf %sub3A_141, %mul3A_142 : vector<54x128xf32>
    %mul3A_144 = arith.mulf %add3A_143, %div3A_124 : vector<54x128xf32>
    %neg3A_145 = arith.constant 0.000000e+00 : f32
    %neg3A_146 = vector.broadcast %neg3A_145 : f32 to vector<54x128xf32>
    %neg3A_147 = arith.subf %neg3A_146, %get3A_48 : vector<54x128xf32>
    %mul3A_148 = arith.mulf %neg3A_147, %sub3A_94 : vector<54x128xf32>
    %mul3A_149 = arith.mulf %get3A_53, %sub3A_91 : vector<54x128xf32>
    %add3A_150 = arith.addf %mul3A_148, %mul3A_149 : vector<54x128xf32>
    %mul3A_151 = arith.mulf %get3A_58, %sub3A_88 : vector<54x128xf32>
    %sub3A_152 = arith.subf %add3A_150, %mul3A_151 : vector<54x128xf32>
    %mul3A_153 = arith.mulf %sub3A_152, %div3A_124 : vector<54x128xf32>
    %neg3A_154 = arith.constant 0.000000e+00 : f32
    %neg3A_155 = vector.broadcast %neg3A_154 : f32 to vector<54x128xf32>
    %neg3A_156 = arith.subf %neg3A_155, %get3A_23 : vector<54x128xf32>
    %mul3A_157 = arith.mulf %neg3A_156, %sub3A_97 : vector<54x128xf32>
    %mul3A_158 = arith.mulf %get3A_33, %sub3A_106 : vector<54x128xf32>
    %add3A_159 = arith.addf %mul3A_157, %mul3A_158 : vector<54x128xf32>
    %mul3A_160 = arith.mulf %get3A_38, %sub3A_109 : vector<54x128xf32>
    %sub3A_161 = arith.subf %add3A_159, %mul3A_160 : vector<54x128xf32>
    %mul3A_162 = arith.mulf %sub3A_161, %div3A_124 : vector<54x128xf32>
    %mul3A_163 = arith.mulf %get3A_3, %sub3A_97 : vector<54x128xf32>
    %mul3A_164 = arith.mulf %get3A_13, %sub3A_106 : vector<54x128xf32>
    %sub3A_165 = arith.subf %mul3A_163, %mul3A_164 : vector<54x128xf32>
    %mul3A_166 = arith.mulf %get3A_18, %sub3A_109 : vector<54x128xf32>
    %add3A_167 = arith.addf %sub3A_165, %mul3A_166 : vector<54x128xf32>
    %mul3A_168 = arith.mulf %add3A_167, %div3A_124 : vector<54x128xf32>
    %neg3A_169 = arith.constant 0.000000e+00 : f32
    %neg3A_170 = vector.broadcast %neg3A_169 : f32 to vector<54x128xf32>
    %neg3A_171 = arith.subf %neg3A_170, %get3A_63 : vector<54x128xf32>
    %mul3A_172 = arith.mulf %neg3A_171, %sub3A_94 : vector<54x128xf32>
    %mul3A_173 = arith.mulf %get3A_73, %sub3A_85 : vector<54x128xf32>
    %add3A_174 = arith.addf %mul3A_172, %mul3A_173 : vector<54x128xf32>
    %mul3A_175 = arith.mulf %get3A_78, %sub3A_82 : vector<54x128xf32>
    %sub3A_176 = arith.subf %add3A_174, %mul3A_175 : vector<54x128xf32>
    %mul3A_177 = arith.mulf %sub3A_176, %div3A_124 : vector<54x128xf32>
    %mul3A_178 = arith.mulf %get3A_43, %sub3A_94 : vector<54x128xf32>
    %mul3A_179 = arith.mulf %get3A_53, %sub3A_85 : vector<54x128xf32>
    %sub3A_180 = arith.subf %mul3A_178, %mul3A_179 : vector<54x128xf32>
    %mul3A_181 = arith.mulf %get3A_58, %sub3A_82 : vector<54x128xf32>
    %add3A_182 = arith.addf %sub3A_180, %mul3A_181 : vector<54x128xf32>
    %mul3A_183 = arith.mulf %add3A_182, %div3A_124 : vector<54x128xf32>
    %mul3A_184 = arith.mulf %get3A_23, %sub3A_100 : vector<54x128xf32>
    %mul3A_185 = arith.mulf %get3A_28, %sub3A_106 : vector<54x128xf32>
    %sub3A_186 = arith.subf %mul3A_184, %mul3A_185 : vector<54x128xf32>
    %mul3A_187 = arith.mulf %get3A_38, %sub3A_112 : vector<54x128xf32>
    %add3A_188 = arith.addf %sub3A_186, %mul3A_187 : vector<54x128xf32>
    %mul3A_189 = arith.mulf %add3A_188, %div3A_124 : vector<54x128xf32>
    %neg3A_190 = arith.constant 0.000000e+00 : f32
    %neg3A_191 = vector.broadcast %neg3A_190 : f32 to vector<54x128xf32>
    %neg3A_192 = arith.subf %neg3A_191, %get3A_3 : vector<54x128xf32>
    %mul3A_193 = arith.mulf %neg3A_192, %sub3A_100 : vector<54x128xf32>
    %mul3A_194 = arith.mulf %get3A_8, %sub3A_106 : vector<54x128xf32>
    %add3A_195 = arith.addf %mul3A_193, %mul3A_194 : vector<54x128xf32>
    %mul3A_196 = arith.mulf %get3A_18, %sub3A_112 : vector<54x128xf32>
    %sub3A_197 = arith.subf %add3A_195, %mul3A_196 : vector<54x128xf32>
    %mul3A_198 = arith.mulf %sub3A_197, %div3A_124 : vector<54x128xf32>
    %mul3A_199 = arith.mulf %get3A_63, %sub3A_91 : vector<54x128xf32>
    %mul3A_200 = arith.mulf %get3A_68, %sub3A_85 : vector<54x128xf32>
    %sub3A_201 = arith.subf %mul3A_199, %mul3A_200 : vector<54x128xf32>
    %mul3A_202 = arith.mulf %get3A_78, %sub3A : vector<54x128xf32>
    %add3A_203 = arith.addf %sub3A_201, %mul3A_202 : vector<54x128xf32>
    %mul3A_204 = arith.mulf %add3A_203, %div3A_124 : vector<54x128xf32>
    %neg3A_205 = arith.constant 0.000000e+00 : f32
    %neg3A_206 = vector.broadcast %neg3A_205 : f32 to vector<54x128xf32>
    %neg3A_207 = arith.subf %neg3A_206, %get3A_43 : vector<54x128xf32>
    %mul3A_208 = arith.mulf %neg3A_207, %sub3A_91 : vector<54x128xf32>
    %mul3A_209 = arith.mulf %get3A_48, %sub3A_85 : vector<54x128xf32>
    %add3A_210 = arith.addf %mul3A_208, %mul3A_209 : vector<54x128xf32>
    %mul3A_211 = arith.mulf %get3A_58, %sub3A : vector<54x128xf32>
    %sub3A_212 = arith.subf %add3A_210, %mul3A_211 : vector<54x128xf32>
    %mul3A_213 = arith.mulf %sub3A_212, %div3A_124 : vector<54x128xf32>
    %neg3A_214 = arith.constant 0.000000e+00 : f32
    %neg3A_215 = vector.broadcast %neg3A_214 : f32 to vector<54x128xf32>
    %neg3A_216 = arith.subf %neg3A_215, %get3A_23 : vector<54x128xf32>
    %mul3A_217 = arith.mulf %neg3A_216, %sub3A_103 : vector<54x128xf32>
    %mul3A_218 = arith.mulf %get3A_28, %sub3A_109 : vector<54x128xf32>
    %add3A_219 = arith.addf %mul3A_217, %mul3A_218 : vector<54x128xf32>
    %mul3A_220 = arith.mulf %get3A_33, %sub3A_112 : vector<54x128xf32>
    %sub3A_221 = arith.subf %add3A_219, %mul3A_220 : vector<54x128xf32>
    %mul3A_222 = arith.mulf %sub3A_221, %div3A_124 : vector<54x128xf32>
    %mul3A_223 = arith.mulf %get3A_3, %sub3A_103 : vector<54x128xf32>
    %mul3A_224 = arith.mulf %get3A_8, %sub3A_109 : vector<54x128xf32>
    %sub3A_225 = arith.subf %mul3A_223, %mul3A_224 : vector<54x128xf32>
    %mul3A_226 = arith.mulf %get3A_13, %sub3A_112 : vector<54x128xf32>
    %add3A_227 = arith.addf %sub3A_225, %mul3A_226 : vector<54x128xf32>
    %mul3A_228 = arith.mulf %add3A_227, %div3A_124 : vector<54x128xf32>
    %neg3A_229 = arith.constant 0.000000e+00 : f32
    %neg3A_230 = vector.broadcast %neg3A_229 : f32 to vector<54x128xf32>
    %neg3A_231 = arith.subf %neg3A_230, %get3A_63 : vector<54x128xf32>
    %mul3A_232 = arith.mulf %neg3A_231, %sub3A_88 : vector<54x128xf32>
    %mul3A_233 = arith.mulf %get3A_68, %sub3A_82 : vector<54x128xf32>
    %add3A_234 = arith.addf %mul3A_232, %mul3A_233 : vector<54x128xf32>
    %mul3A_235 = arith.mulf %get3A_73, %sub3A : vector<54x128xf32>
    %sub3A_236 = arith.subf %add3A_234, %mul3A_235 : vector<54x128xf32>
    %mul3A_237 = arith.mulf %sub3A_236, %div3A_124 : vector<54x128xf32>
    %mul3A_238 = arith.mulf %get3A_43, %sub3A_88 : vector<54x128xf32>
    %mul3A_239 = arith.mulf %get3A_48, %sub3A_82 : vector<54x128xf32>
    %sub3A_240 = arith.subf %mul3A_238, %mul3A_239 : vector<54x128xf32>
    %mul3A_241 = arith.mulf %get3A_53, %sub3A : vector<54x128xf32>
    %add3A_242 = arith.addf %sub3A_240, %mul3A_241 : vector<54x128xf32>
    %mul3A_243 = arith.mulf %add3A_242, %div3A_124 : vector<54x128xf32>
    %swap3A = arith.constant 0 : index
    %swap3A_244 = arith.constant 0 : index
    %swap3A_245 = arith.constant 0 : index
    %swap3A_246 = vector.load %arg1[%swap3A, %swap3A_244, %swap3A_245] : memref<16x54x128xf32, #tpu.memory_space<vmem>>, vector<1x54x128xf32>
    %swap3A_247 = vector.shape_cast %swap3A_246 : vector<1x54x128xf32> to vector<54x128xf32>
    %swap3A_248 = vector.shape_cast %mul3A_130 : vector<54x128xf32> to vector<1x54x128xf32>
    tpu.vector_store %arg1[%swap3A, %swap3A_244, %swap3A_245], %swap3A_248 {strides = array<i32>} : memref<16x54x128xf32, #tpu.memory_space<vmem>>, vector<1x54x128xf32>,
    %swap3A_249 = arith.constant 1 : index
    %swap3A_250 = arith.constant 0 : index
    %swap3A_251 = arith.constant 0 : index
    %swap3A_252 = vector.load %arg1[%swap3A_249, %swap3A_250, %swap3A_251] : memref<16x54x128xf32, #tpu.memory_space<vmem>>, vector<1x54x128xf32>
    %swap3A_253 = vector.shape_cast %swap3A_252 : vector<1x54x128xf32> to vector<54x128xf32>
    %swap3A_254 = vector.shape_cast %mul3A_138 : vector<54x128xf32> to vector<1x54x128xf32>
    tpu.vector_store %arg1[%swap3A_249, %swap3A_250, %swap3A_251], %swap3A_254 {strides = array<i32>} : memref<16x54x128xf32, #tpu.memory_space<vmem>>, vector<1x54x128xf32>,
    %swap3A_255 = arith.constant 2 : index
    %swap3A_256 = arith.constant 0 : index
    %swap3A_257 = arith.constant 0 : index
    %swap3A_258 = vector.load %arg1[%swap3A_255, %swap3A_256, %swap3A_257] : memref<16x54x128xf32, #tpu.memory_space<vmem>>, vector<1x54x128xf32>
    %swap3A_259 = vector.shape_cast %swap3A_258 : vector<1x54x128xf32> to vector<54x128xf32>
    %swap3A_260 = vector.shape_cast %mul3A_144 : vector<54x128xf32> to vector<1x54x128xf32>
    tpu.vector_store %arg1[%swap3A_255, %swap3A_256, %swap3A_257], %swap3A_260 {strides = array<i32>} : memref<16x54x128xf32, #tpu.memory_space<vmem>>, vector<1x54x128xf32>,
    %swap3A_261 = arith.constant 3 : index
    %swap3A_262 = arith.constant 0 : index
    %swap3A_263 = arith.constant 0 : index
    %swap3A_264 = vector.load %arg1[%swap3A_261, %swap3A_262, %swap3A_263] : memref<16x54x128xf32, #tpu.memory_space<vmem>>, vector<1x54x128xf32>
    %swap3A_265 = vector.shape_cast %swap3A_264 : vector<1x54x128xf32> to vector<54x128xf32>
    %swap3A_266 = vector.shape_cast %mul3A_153 : vector<54x128xf32> to vector<1x54x128xf32>
    tpu.vector_store %arg1[%swap3A_261, %swap3A_262, %swap3A_263], %swap3A_266 {strides = array<i32>} : memref<16x54x128xf32, #tpu.memory_space<vmem>>, vector<1x54x128xf32>,
    %swap3A_267 = arith.constant 4 : index
    %swap3A_268 = arith.constant 0 : index
    %swap3A_269 = arith.constant 0 : index
    %swap3A_270 = vector.load %arg1[%swap3A_267, %swap3A_268, %swap3A_269] : memref<16x54x128xf32, #tpu.memory_space<vmem>>, vector<1x54x128xf32>
    %swap3A_271 = vector.shape_cast %swap3A_270 : vector<1x54x128xf32> to vector<54x128xf32>
    %swap3A_272 = vector.shape_cast %mul3A_162 : vector<54x128xf32> to vector<1x54x128xf32>
    tpu.vector_store %arg1[%swap3A_267, %swap3A_268, %swap3A_269], %swap3A_272 {strides = array<i32>} : memref<16x54x128xf32, #tpu.memory_space<vmem>>, vector<1x54x128xf32>,
    %swap3A_273 = arith.constant 5 : index
    %swap3A_274 = arith.constant 0 : index
    %swap3A_275 = arith.constant 0 : index
    %swap3A_276 = vector.load %arg1[%swap3A_273, %swap3A_274, %swap3A_275] : memref<16x54x128xf32, #tpu.memory_space<vmem>>, vector<1x54x128xf32>
    %swap3A_277 = vector.shape_cast %swap3A_276 : vector<1x54x128xf32> to vector<54x128xf32>
    %swap3A_278 = vector.shape_cast %mul3A_168 : vector<54x128xf32> to vector<1x54x128xf32>
    tpu.vector_store %arg1[%swap3A_273, %swap3A_274, %swap3A_275], %swap3A_278 {strides = array<i32>} : memref<16x54x128xf32, #tpu.memory_space<vmem>>, vector<1x54x128xf32>,
    %swap3A_279 = arith.constant 6 : index
    %swap3A_280 = arith.constant 0 : index
    %swap3A_281 = arith.constant 0 : index
    %swap3A_282 = vector.load %arg1[%swap3A_279, %swap3A_280, %swap3A_281] : memref<16x54x128xf32, #tpu.memory_space<vmem>>, vector<1x54x128xf32>
    %swap3A_283 = vector.shape_cast %swap3A_282 : vector<1x54x128xf32> to vector<54x128xf32>
    %swap3A_284 = vector.shape_cast %mul3A_177 : vector<54x128xf32> to vector<1x54x128xf32>
    tpu.vector_store %arg1[%swap3A_279, %swap3A_280, %swap3A_281], %swap3A_284 {strides = array<i32>} : memref<16x54x128xf32, #tpu.memory_space<vmem>>, vector<1x54x128xf32>,
    %swap3A_285 = arith.constant 7 : index
    %swap3A_286 = arith.constant 0 : index
    %swap3A_287 = arith.constant 0 : index
    %swap3A_288 = vector.load %arg1[%swap3A_285, %swap3A_286, %swap3A_287] : memref<16x54x128xf32, #tpu.memory_space<vmem>>, vector<1x54x128xf32>
    %swap3A_289 = vector.shape_cast %swap3A_288 : vector<1x54x128xf32> to vector<54x128xf32>
    %swap3A_290 = vector.shape_cast %mul3A_183 : vector<54x128xf32> to vector<1x54x128xf32>
    tpu.vector_store %arg1[%swap3A_285, %swap3A_286, %swap3A_287], %swap3A_290 {strides = array<i32>} : memref<16x54x128xf32, #tpu.memory_space<vmem>>, vector<1x54x128xf32>,
    %swap3A_291 = arith.constant 8 : index
    %swap3A_292 = arith.constant 0 : index
    %swap3A_293 = arith.constant 0 : index
    %swap3A_294 = vector.load %arg1[%swap3A_291, %swap3A_292, %swap3A_293] : memref<16x54x128xf32, #tpu.memory_space<vmem>>, vector<1x54x128xf32>
    %swap3A_295 = vector.shape_cast %swap3A_294 : vector<1x54x128xf32> to vector<54x128xf32>
    %swap3A_296 = vector.shape_cast %mul3A_189 : vector<54x128xf32> to vector<1x54x128xf32>
    tpu.vector_store %arg1[%swap3A_291, %swap3A_292, %swap3A_293], %swap3A_296 {strides = array<i32>} : memref<16x54x128xf32, #tpu.memory_space<vmem>>, vector<1x54x128xf32>,
    %swap3A_297 = arith.constant 9 : index
    %swap3A_298 = arith.constant 0 : index
    %swap3A_299 = arith.constant 0 : index
    %swap3A_300 = vector.load %arg1[%swap3A_297, %swap3A_298, %swap3A_299] : memref<16x54x128xf32, #tpu.memory_space<vmem>>, vector<1x54x128xf32>
    %swap3A_301 = vector.shape_cast %swap3A_300 : vector<1x54x128xf32> to vector<54x128xf32>
    %swap3A_302 = vector.shape_cast %mul3A_198 : vector<54x128xf32> to vector<1x54x128xf32>
    tpu.vector_store %arg1[%swap3A_297, %swap3A_298, %swap3A_299], %swap3A_302 {strides = array<i32>} : memref<16x54x128xf32, #tpu.memory_space<vmem>>, vector<1x54x128xf32>,
    %swap3A_303 = arith.constant 10 : index
    %swap3A_304 = arith.constant 0 : index
    %swap3A_305 = arith.constant 0 : index
    %swap3A_306 = vector.load %arg1[%swap3A_303, %swap3A_304, %swap3A_305] : memref<16x54x128xf32, #tpu.memory_space<vmem>>, vector<1x54x128xf32>
    %swap3A_307 = vector.shape_cast %swap3A_306 : vector<1x54x128xf32> to vector<54x128xf32>
    %swap3A_308 = vector.shape_cast %mul3A_204 : vector<54x128xf32> to vector<1x54x128xf32>
    tpu.vector_store %arg1[%swap3A_303, %swap3A_304, %swap3A_305], %swap3A_308 {strides = array<i32>} : memref<16x54x128xf32, #tpu.memory_space<vmem>>, vector<1x54x128xf32>,
    %swap3A_309 = arith.constant 11 : index
    %swap3A_310 = arith.constant 0 : index
    %swap3A_311 = arith.constant 0 : index
    %swap3A_312 = vector.load %arg1[%swap3A_309, %swap3A_310, %swap3A_311] : memref<16x54x128xf32, #tpu.memory_space<vmem>>, vector<1x54x128xf32>
    %swap3A_313 = vector.shape_cast %swap3A_312 : vector<1x54x128xf32> to vector<54x128xf32>
    %swap3A_314 = vector.shape_cast %mul3A_213 : vector<54x128xf32> to vector<1x54x128xf32>
    tpu.vector_store %arg1[%swap3A_309, %swap3A_310, %swap3A_311], %swap3A_314 {strides = array<i32>} : memref<16x54x128xf32, #tpu.memory_space<vmem>>, vector<1x54x128xf32>,
    %swap3A_315 = arith.constant 12 : index
    %swap3A_316 = arith.constant 0 : index
    %swap3A_317 = arith.constant 0 : index
    %swap3A_318 = vector.load %arg1[%swap3A_315, %swap3A_316, %swap3A_317] : memref<16x54x128xf32, #tpu.memory_space<vmem>>, vector<1x54x128xf32>
    %swap3A_319 = vector.shape_cast %swap3A_318 : vector<1x54x128xf32> to vector<54x128xf32>
    %swap3A_320 = vector.shape_cast %mul3A_222 : vector<54x128xf32> to vector<1x54x128xf32>
    tpu.vector_store %arg1[%swap3A_315, %swap3A_316, %swap3A_317], %swap3A_320 {strides = array<i32>} : memref<16x54x128xf32, #tpu.memory_space<vmem>>, vector<1x54x128xf32>,
    %swap3A_321 = arith.constant 13 : index
    %swap3A_322 = arith.constant 0 : index
    %swap3A_323 = arith.constant 0 : index
    %swap3A_324 = vector.load %arg1[%swap3A_321, %swap3A_322, %swap3A_323] : memref<16x54x128xf32, #tpu.memory_space<vmem>>, vector<1x54x128xf32>
    %swap3A_325 = vector.shape_cast %swap3A_324 : vector<1x54x128xf32> to vector<54x128xf32>
    %swap3A_326 = vector.shape_cast %mul3A_228 : vector<54x128xf32> to vector<1x54x128xf32>
    tpu.vector_store %arg1[%swap3A_321, %swap3A_322, %swap3A_323], %swap3A_326 {strides = array<i32>} : memref<16x54x128xf32, #tpu.memory_space<vmem>>, vector<1x54x128xf32>,
    %swap3A_327 = arith.constant 14 : index
    %swap3A_328 = arith.constant 0 : index
    %swap3A_329 = arith.constant 0 : index
    %swap3A_330 = vector.load %arg1[%swap3A_327, %swap3A_328, %swap3A_329] : memref<16x54x128xf32, #tpu.memory_space<vmem>>, vector<1x54x128xf32>
    %swap3A_331 = vector.shape_cast %swap3A_330 : vector<1x54x128xf32> to vector<54x128xf32>
    %swap3A_332 = vector.shape_cast %mul3A_237 : vector<54x128xf32> to vector<1x54x128xf32>
    tpu.vector_store %arg1[%swap3A_327, %swap3A_328, %swap3A_329], %swap3A_332 {strides = array<i32>} : memref<16x54x128xf32, #tpu.memory_space<vmem>>, vector<1x54x128xf32>,
    %swap3A_333 = arith.constant 15 : index
    %swap3A_334 = arith.constant 0 : index
    %swap3A_335 = arith.constant 0 : index
    %swap3A_336 = vector.load %arg1[%swap3A_333, %swap3A_334, %swap3A_335] : memref<16x54x128xf32, #tpu.memory_space<vmem>>, vector<1x54x128xf32>
    %swap3A_337 = vector.shape_cast %swap3A_336 : vector<1x54x128xf32> to vector<54x128xf32>
    %swap3A_338 = vector.shape_cast %mul3A_243 : vector<54x128xf32> to vector<1x54x128xf32>
    tpu.vector_store %arg1[%swap3A_333, %swap3A_334, %swap3A_335], %swap3A_338 {strides = array<i32>} : memref<16x54x128xf32, #tpu.memory_space<vmem>>, vector<1x54x128xf32>,
    return
  }
}

module attributes {stable_mosaic.version = 14 : i64} {
  func.func @_argmin_body(%arg0: i32, %arg1: memref<512x8xf32, #tpu.memory_space<vmem>>, %arg2: memref<8x7168xf32, #tpu.memory_space<vmem>>, %arg3: memref<1x1x512xi32, #tpu.memory_space<vmem>>) attributes {dimension_semantics = [#tpu.dimension_semantics<arbitrary>], iteration_bounds = array<i64: 32>, scalar_prefetch = 0 : i64, scratch_operands = 0 : i64, tpu.core_type = #tpu.core_type<tc>, window_params = [{transform_indices = @transform_0, window_bounds = array<i64: 512, 8>}, {pipeline_mode = #tpu.pipeline_mode<synchronous>, transform_indices = @transform_1, window_bounds = array<i64: 8, 7168>}, {transform_indices = @transform_2, window_bounds = array<i64: 1, 1, 512>}]} {
    %get3A = arith.constant 0 : index
    %get3A_0 = arith.constant 0 : index
    %get3A_1 = vector.load %arg1[%get3A, %get3A_0] : memref<512x8xf32, #tpu.memory_space<vmem>>, vector<512x8xf32>
    %slice3A = vector.extract_strided_slice %get3A_1 {offsets = [0, 0], sizes = [512, 1], strides = [1, 1]} : vector<512x8xf32> to vector<512x1xf32>
    %slice3A_2 = vector.extract_strided_slice %get3A_1 {offsets = [0, 0], sizes = [512, 1], strides = [1, 1]} : vector<512x8xf32> to vector<512x1xf32>
    %mul3A = arith.mulf %slice3A, %slice3A_2 : vector<512x1xf32>
    %slice3A_3 = vector.extract_strided_slice %get3A_1 {offsets = [0, 1], sizes = [512, 1], strides = [1, 1]} : vector<512x8xf32> to vector<512x1xf32>
    %slice3A_4 = vector.extract_strided_slice %get3A_1 {offsets = [0, 1], sizes = [512, 1], strides = [1, 1]} : vector<512x8xf32> to vector<512x1xf32>
    %mul3A_5 = arith.mulf %slice3A_3, %slice3A_4 : vector<512x1xf32>
    %add3A = arith.addf %mul3A, %mul3A_5 : vector<512x1xf32>
    %slice3A_6 = vector.extract_strided_slice %get3A_1 {offsets = [0, 2], sizes = [512, 1], strides = [1, 1]} : vector<512x8xf32> to vector<512x1xf32>
    %slice3A_7 = vector.extract_strided_slice %get3A_1 {offsets = [0, 2], sizes = [512, 1], strides = [1, 1]} : vector<512x8xf32> to vector<512x1xf32>
    %mul3A_8 = arith.mulf %slice3A_6, %slice3A_7 : vector<512x1xf32>
    %add3A_9 = arith.addf %add3A, %mul3A_8 : vector<512x1xf32>
    %broadcast_in_dim3A = arith.constant 0x7F800000 : f32
    %broadcast_in_dim3A_10 = vector.broadcast %broadcast_in_dim3A : f32 to vector<512x1xf32>
    %broadcast_in_dim3A_11 = arith.constant 0 : i32
    %broadcast_in_dim3A_12 = vector.broadcast %broadcast_in_dim3A_11 : i32 to vector<512x1xi32>
    %iota3A = tpu.iota {dimensions = array<i32: 1>} : vector<512x1024xi32>
    %convert_element_type3A = arith.truncf %get3A_1 : vector<512x8xf32> to vector<512x8xbf16>
    %get3A_13 = arith.constant 0 : index
    %get3A_14 = arith.constant 0 : index
    %get3A_15 = vector.load %arg2[%get3A_13, %get3A_14] : memref<8x7168xf32, #tpu.memory_space<vmem>>, vector<8x1024xf32>
    %slice3A_16 = vector.extract_strided_slice %get3A_15 {offsets = [0, 0], sizes = [1, 1024], strides = [1, 1]} : vector<8x1024xf32> to vector<1x1024xf32>
    %slice3A_17 = vector.extract_strided_slice %get3A_15 {offsets = [0, 0], sizes = [1, 1024], strides = [1, 1]} : vector<8x1024xf32> to vector<1x1024xf32>
    %mul3A_18 = arith.mulf %slice3A_16, %slice3A_17 : vector<1x1024xf32>
    %slice3A_19 = vector.extract_strided_slice %get3A_15 {offsets = [1, 0], sizes = [1, 1024], strides = [1, 1]} : vector<8x1024xf32> to vector<1x1024xf32>
    %slice3A_20 = vector.extract_strided_slice %get3A_15 {offsets = [1, 0], sizes = [1, 1024], strides = [1, 1]} : vector<8x1024xf32> to vector<1x1024xf32>
    %mul3A_21 = arith.mulf %slice3A_19, %slice3A_20 : vector<1x1024xf32>
    %add3A_22 = arith.addf %mul3A_18, %mul3A_21 : vector<1x1024xf32>
    %slice3A_23 = vector.extract_strided_slice %get3A_15 {offsets = [2, 0], sizes = [1, 1024], strides = [1, 1]} : vector<8x1024xf32> to vector<1x1024xf32>
    %slice3A_24 = vector.extract_strided_slice %get3A_15 {offsets = [2, 0], sizes = [1, 1024], strides = [1, 1]} : vector<8x1024xf32> to vector<1x1024xf32>
    %mul3A_25 = arith.mulf %slice3A_23, %slice3A_24 : vector<1x1024xf32>
    %add3A_26 = arith.addf %add3A_22, %mul3A_25 : vector<1x1024xf32>
    %convert_element_type3A_27 = arith.truncf %get3A_15 : vector<8x1024xf32> to vector<8x1024xbf16>
    %dot_general3A = arith.constant dense<0.000000e+00> : vector<512x1024xf32>
    %dot_general3A_28 = tpu.matmul %convert_element_type3A, %convert_element_type3A_27, %dot_general3A {dimension_numbers = #tpu.dot_dimension_numbers<[1], [0], [0], [1], [0, 0, 1, 1], [], []>, transpose_lhs_hint = false} : vector<512x8xbf16>, vector<8x1024xbf16>, vector<512x1024xf32> -> vector<512x1024xf32>
    %add3A_29 = vector.broadcast %add3A_9 : vector<512x1xf32> to vector<512x1024xf32>
    %add3A_30 = vector.broadcast %add3A_26 : vector<1x1024xf32> to vector<512x1024xf32>
    %add3A_31 = arith.addf %add3A_29, %add3A_30 : vector<512x1024xf32>
    %mul3A_32 = arith.constant 2.000000e+00 : f32
    %mul3A_33 = vector.broadcast %mul3A_32 : f32 to vector<512x1024xf32>
    %mul3A_34 = arith.mulf %mul3A_33, %dot_general3A_28 : vector<512x1024xf32>
    %sub3A = arith.subf %add3A_31, %mul3A_34 : vector<512x1024xf32>
    %max3A = arith.constant 0.000000e+00 : f32
    %max3A_35 = vector.broadcast %max3A : f32 to vector<512x1024xf32>
    %max3A_36 = arith.maximumf %sub3A, %max3A_35 : vector<512x1024xf32>
    %sqrt3A = math.sqrt %max3A_36 : vector<512x1024xf32>
    %add3A_37 = arith.constant 0 : i32
    %add3A_38 = vector.broadcast %add3A_37 : i32 to vector<512x1024xi32>
    %add3A_39 = arith.addi %add3A_38, %iota3A : vector<512x1024xi32>
    %lt3A = arith.constant 6890 : i32
    %lt3A_40 = vector.broadcast %lt3A : i32 to vector<512x1024xi32>
    %lt3A_41 = arith.cmpi slt, %add3A_39, %lt3A_40 : vector<512x1024xi32>
    %jit3A = arith.constant 0x7F800000 : f32
    %broadcast_in_dim3A_42 = vector.broadcast %jit3A : f32 to vector<512x1024xf32>
    %select_n3A = arith.select %lt3A_41, %sqrt3A, %broadcast_in_dim3A_42 : vector<512x1024xi1>, vector<512x1024xf32>
    %reduce_min3A = arith.constant dense<0x7F800000> : vector<512xf32>
    %reduce_min3A_43 = vector.multi_reduction <minimumf>, %select_n3A, %reduce_min3A [1] : vector<512x1024xf32> to vector<512xf32>
    %broadcast_in_dim3A_44 = vector.shape_cast %reduce_min3A_43 : vector<512xf32> to vector<512x1xf32>
    %eq3A = vector.broadcast %broadcast_in_dim3A_44 : vector<512x1xf32> to vector<512x1024xf32>
    %eq3A_45 = arith.cmpf oeq, %select_n3A, %eq3A : vector<512x1024xf32>
    %jit3A_46 = arith.constant 2147483647 : i32
    %broadcast_in_dim3A_47 = vector.broadcast %jit3A_46 : i32 to vector<512x1024xi32>
    %select_n3A_48 = arith.select %eq3A_45, %add3A_39, %broadcast_in_dim3A_47 : vector<512x1024xi1>, vector<512x1024xi32>
    %reduce_min3A_49 = arith.constant dense<2147483647> : vector<512xi32>
    %reduce_min3A_50 = vector.multi_reduction <minsi>, %select_n3A_48, %reduce_min3A_49 [1] : vector<512x1024xi32> to vector<512xi32>
    %broadcast_in_dim3A_51 = vector.shape_cast %reduce_min3A_50 : vector<512xi32> to vector<512x1xi32>
    %lt3A_52 = arith.cmpf olt, %broadcast_in_dim3A_44, %broadcast_in_dim3A_10 : vector<512x1xf32>
    %select_n3A_53 = arith.select %lt3A_52, %broadcast_in_dim3A_51, %broadcast_in_dim3A_12 : vector<512x1xi1>, vector<512x1xi32>
    %lt3A_54 = arith.cmpf olt, %broadcast_in_dim3A_10, %broadcast_in_dim3A_44 : vector<512x1xf32>
    %convert_element_type3A_55 = arith.truncf %broadcast_in_dim3A_44 : vector<512x1xf32> to vector<512x1xbf16>
    %convert_element_type3A_56 = arith.extf %convert_element_type3A_55 : vector<512x1xbf16> to vector<512x1xf32>
    %select_n3A_57 = arith.select %lt3A_54, %broadcast_in_dim3A_10, %convert_element_type3A_56 : vector<512x1xi1>, vector<512x1xf32>
    %get3A_58 = arith.constant 0 : index
    %get3A_59 = arith.constant 1024 : index
    %get3A_60 = vector.load %arg2[%get3A_58, %get3A_59] : memref<8x7168xf32, #tpu.memory_space<vmem>>, vector<8x1024xf32>
    %slice3A_61 = vector.extract_strided_slice %get3A_60 {offsets = [0, 0], sizes = [1, 1024], strides = [1, 1]} : vector<8x1024xf32> to vector<1x1024xf32>
    %slice3A_62 = vector.extract_strided_slice %get3A_60 {offsets = [0, 0], sizes = [1, 1024], strides = [1, 1]} : vector<8x1024xf32> to vector<1x1024xf32>
    %mul3A_63 = arith.mulf %slice3A_61, %slice3A_62 : vector<1x1024xf32>
    %slice3A_64 = vector.extract_strided_slice %get3A_60 {offsets = [1, 0], sizes = [1, 1024], strides = [1, 1]} : vector<8x1024xf32> to vector<1x1024xf32>
    %slice3A_65 = vector.extract_strided_slice %get3A_60 {offsets = [1, 0], sizes = [1, 1024], strides = [1, 1]} : vector<8x1024xf32> to vector<1x1024xf32>
    %mul3A_66 = arith.mulf %slice3A_64, %slice3A_65 : vector<1x1024xf32>
    %add3A_67 = arith.addf %mul3A_63, %mul3A_66 : vector<1x1024xf32>
    %slice3A_68 = vector.extract_strided_slice %get3A_60 {offsets = [2, 0], sizes = [1, 1024], strides = [1, 1]} : vector<8x1024xf32> to vector<1x1024xf32>
    %slice3A_69 = vector.extract_strided_slice %get3A_60 {offsets = [2, 0], sizes = [1, 1024], strides = [1, 1]} : vector<8x1024xf32> to vector<1x1024xf32>
    %mul3A_70 = arith.mulf %slice3A_68, %slice3A_69 : vector<1x1024xf32>
    %add3A_71 = arith.addf %add3A_67, %mul3A_70 : vector<1x1024xf32>
    %convert_element_type3A_72 = arith.truncf %get3A_60 : vector<8x1024xf32> to vector<8x1024xbf16>
    %dot_general3A_73 = arith.constant dense<0.000000e+00> : vector<512x1024xf32>
    %dot_general3A_74 = tpu.matmul %convert_element_type3A, %convert_element_type3A_72, %dot_general3A_73 {dimension_numbers = #tpu.dot_dimension_numbers<[1], [0], [0], [1], [0, 0, 1, 1], [], []>, transpose_lhs_hint = false} : vector<512x8xbf16>, vector<8x1024xbf16>, vector<512x1024xf32> -> vector<512x1024xf32>
    %add3A_75 = vector.broadcast %add3A_9 : vector<512x1xf32> to vector<512x1024xf32>
    %add3A_76 = vector.broadcast %add3A_71 : vector<1x1024xf32> to vector<512x1024xf32>
    %add3A_77 = arith.addf %add3A_75, %add3A_76 : vector<512x1024xf32>
    %mul3A_78 = arith.constant 2.000000e+00 : f32
    %mul3A_79 = vector.broadcast %mul3A_78 : f32 to vector<512x1024xf32>
    %mul3A_80 = arith.mulf %mul3A_79, %dot_general3A_74 : vector<512x1024xf32>
    %sub3A_81 = arith.subf %add3A_77, %mul3A_80 : vector<512x1024xf32>
    %max3A_82 = arith.constant 0.000000e+00 : f32
    %max3A_83 = vector.broadcast %max3A_82 : f32 to vector<512x1024xf32>
    %max3A_84 = arith.maximumf %sub3A_81, %max3A_83 : vector<512x1024xf32>
    %sqrt3A_85 = math.sqrt %max3A_84 : vector<512x1024xf32>
    %add3A_86 = arith.constant 1024 : i32
    %add3A_87 = vector.broadcast %add3A_86 : i32 to vector<512x1024xi32>
    %add3A_88 = arith.addi %add3A_87, %iota3A : vector<512x1024xi32>
    %lt3A_89 = arith.constant 6890 : i32
    %lt3A_90 = vector.broadcast %lt3A_89 : i32 to vector<512x1024xi32>
    %lt3A_91 = arith.cmpi slt, %add3A_88, %lt3A_90 : vector<512x1024xi32>
    %jit3A_92 = arith.constant 0x7F800000 : f32
    %broadcast_in_dim3A_93 = vector.broadcast %jit3A_92 : f32 to vector<512x1024xf32>
    %select_n3A_94 = arith.select %lt3A_91, %sqrt3A_85, %broadcast_in_dim3A_93 : vector<512x1024xi1>, vector<512x1024xf32>
    %reduce_min3A_95 = arith.constant dense<0x7F800000> : vector<512xf32>
    %reduce_min3A_96 = vector.multi_reduction <minimumf>, %select_n3A_94, %reduce_min3A_95 [1] : vector<512x1024xf32> to vector<512xf32>
    %broadcast_in_dim3A_97 = vector.shape_cast %reduce_min3A_96 : vector<512xf32> to vector<512x1xf32>
    %eq3A_98 = vector.broadcast %broadcast_in_dim3A_97 : vector<512x1xf32> to vector<512x1024xf32>
    %eq3A_99 = arith.cmpf oeq, %select_n3A_94, %eq3A_98 : vector<512x1024xf32>
    %jit3A_100 = arith.constant 2147483647 : i32
    %broadcast_in_dim3A_101 = vector.broadcast %jit3A_100 : i32 to vector<512x1024xi32>
    %select_n3A_102 = arith.select %eq3A_99, %add3A_88, %broadcast_in_dim3A_101 : vector<512x1024xi1>, vector<512x1024xi32>
    %reduce_min3A_103 = arith.constant dense<2147483647> : vector<512xi32>
    %reduce_min3A_104 = vector.multi_reduction <minsi>, %select_n3A_102, %reduce_min3A_103 [1] : vector<512x1024xi32> to vector<512xi32>
    %broadcast_in_dim3A_105 = vector.shape_cast %reduce_min3A_104 : vector<512xi32> to vector<512x1xi32>
    %lt3A_106 = arith.cmpf olt, %broadcast_in_dim3A_97, %select_n3A_57 : vector<512x1xf32>
    %select_n3A_107 = arith.select %lt3A_106, %broadcast_in_dim3A_105, %select_n3A_53 : vector<512x1xi1>, vector<512x1xi32>
    %lt3A_108 = arith.cmpf olt, %select_n3A_57, %broadcast_in_dim3A_97 : vector<512x1xf32>
    %convert_element_type3A_109 = arith.truncf %broadcast_in_dim3A_97 : vector<512x1xf32> to vector<512x1xbf16>
    %convert_element_type3A_110 = arith.extf %convert_element_type3A_109 : vector<512x1xbf16> to vector<512x1xf32>
    %select_n3A_111 = arith.select %lt3A_108, %select_n3A_57, %convert_element_type3A_110 : vector<512x1xi1>, vector<512x1xf32>
    %get3A_112 = arith.constant 0 : index
    %get3A_113 = arith.constant 2048 : index
    %get3A_114 = vector.load %arg2[%get3A_112, %get3A_113] : memref<8x7168xf32, #tpu.memory_space<vmem>>, vector<8x1024xf32>
    %slice3A_115 = vector.extract_strided_slice %get3A_114 {offsets = [0, 0], sizes = [1, 1024], strides = [1, 1]} : vector<8x1024xf32> to vector<1x1024xf32>
    %slice3A_116 = vector.extract_strided_slice %get3A_114 {offsets = [0, 0], sizes = [1, 1024], strides = [1, 1]} : vector<8x1024xf32> to vector<1x1024xf32>
    %mul3A_117 = arith.mulf %slice3A_115, %slice3A_116 : vector<1x1024xf32>
    %slice3A_118 = vector.extract_strided_slice %get3A_114 {offsets = [1, 0], sizes = [1, 1024], strides = [1, 1]} : vector<8x1024xf32> to vector<1x1024xf32>
    %slice3A_119 = vector.extract_strided_slice %get3A_114 {offsets = [1, 0], sizes = [1, 1024], strides = [1, 1]} : vector<8x1024xf32> to vector<1x1024xf32>
    %mul3A_120 = arith.mulf %slice3A_118, %slice3A_119 : vector<1x1024xf32>
    %add3A_121 = arith.addf %mul3A_117, %mul3A_120 : vector<1x1024xf32>
    %slice3A_122 = vector.extract_strided_slice %get3A_114 {offsets = [2, 0], sizes = [1, 1024], strides = [1, 1]} : vector<8x1024xf32> to vector<1x1024xf32>
    %slice3A_123 = vector.extract_strided_slice %get3A_114 {offsets = [2, 0], sizes = [1, 1024], strides = [1, 1]} : vector<8x1024xf32> to vector<1x1024xf32>
    %mul3A_124 = arith.mulf %slice3A_122, %slice3A_123 : vector<1x1024xf32>
    %add3A_125 = arith.addf %add3A_121, %mul3A_124 : vector<1x1024xf32>
    %convert_element_type3A_126 = arith.truncf %get3A_114 : vector<8x1024xf32> to vector<8x1024xbf16>
    %dot_general3A_127 = arith.constant dense<0.000000e+00> : vector<512x1024xf32>
    %dot_general3A_128 = tpu.matmul %convert_element_type3A, %convert_element_type3A_126, %dot_general3A_127 {dimension_numbers = #tpu.dot_dimension_numbers<[1], [0], [0], [1], [0, 0, 1, 1], [], []>, transpose_lhs_hint = false} : vector<512x8xbf16>, vector<8x1024xbf16>, vector<512x1024xf32> -> vector<512x1024xf32>
    %add3A_129 = vector.broadcast %add3A_9 : vector<512x1xf32> to vector<512x1024xf32>
    %add3A_130 = vector.broadcast %add3A_125 : vector<1x1024xf32> to vector<512x1024xf32>
    %add3A_131 = arith.addf %add3A_129, %add3A_130 : vector<512x1024xf32>
    %mul3A_132 = arith.constant 2.000000e+00 : f32
    %mul3A_133 = vector.broadcast %mul3A_132 : f32 to vector<512x1024xf32>
    %mul3A_134 = arith.mulf %mul3A_133, %dot_general3A_128 : vector<512x1024xf32>
    %sub3A_135 = arith.subf %add3A_131, %mul3A_134 : vector<512x1024xf32>
    %max3A_136 = arith.constant 0.000000e+00 : f32
    %max3A_137 = vector.broadcast %max3A_136 : f32 to vector<512x1024xf32>
    %max3A_138 = arith.maximumf %sub3A_135, %max3A_137 : vector<512x1024xf32>
    %sqrt3A_139 = math.sqrt %max3A_138 : vector<512x1024xf32>
    %add3A_140 = arith.constant 2048 : i32
    %add3A_141 = vector.broadcast %add3A_140 : i32 to vector<512x1024xi32>
    %add3A_142 = arith.addi %add3A_141, %iota3A : vector<512x1024xi32>
    %lt3A_143 = arith.constant 6890 : i32
    %lt3A_144 = vector.broadcast %lt3A_143 : i32 to vector<512x1024xi32>
    %lt3A_145 = arith.cmpi slt, %add3A_142, %lt3A_144 : vector<512x1024xi32>
    %jit3A_146 = arith.constant 0x7F800000 : f32
    %broadcast_in_dim3A_147 = vector.broadcast %jit3A_146 : f32 to vector<512x1024xf32>
    %select_n3A_148 = arith.select %lt3A_145, %sqrt3A_139, %broadcast_in_dim3A_147 : vector<512x1024xi1>, vector<512x1024xf32>
    %reduce_min3A_149 = arith.constant dense<0x7F800000> : vector<512xf32>
    %reduce_min3A_150 = vector.multi_reduction <minimumf>, %select_n3A_148, %reduce_min3A_149 [1] : vector<512x1024xf32> to vector<512xf32>
    %broadcast_in_dim3A_151 = vector.shape_cast %reduce_min3A_150 : vector<512xf32> to vector<512x1xf32>
    %eq3A_152 = vector.broadcast %broadcast_in_dim3A_151 : vector<512x1xf32> to vector<512x1024xf32>
    %eq3A_153 = arith.cmpf oeq, %select_n3A_148, %eq3A_152 : vector<512x1024xf32>
    %jit3A_154 = arith.constant 2147483647 : i32
    %broadcast_in_dim3A_155 = vector.broadcast %jit3A_154 : i32 to vector<512x1024xi32>
    %select_n3A_156 = arith.select %eq3A_153, %add3A_142, %broadcast_in_dim3A_155 : vector<512x1024xi1>, vector<512x1024xi32>
    %reduce_min3A_157 = arith.constant dense<2147483647> : vector<512xi32>
    %reduce_min3A_158 = vector.multi_reduction <minsi>, %select_n3A_156, %reduce_min3A_157 [1] : vector<512x1024xi32> to vector<512xi32>
    %broadcast_in_dim3A_159 = vector.shape_cast %reduce_min3A_158 : vector<512xi32> to vector<512x1xi32>
    %lt3A_160 = arith.cmpf olt, %broadcast_in_dim3A_151, %select_n3A_111 : vector<512x1xf32>
    %select_n3A_161 = arith.select %lt3A_160, %broadcast_in_dim3A_159, %select_n3A_107 : vector<512x1xi1>, vector<512x1xi32>
    %lt3A_162 = arith.cmpf olt, %select_n3A_111, %broadcast_in_dim3A_151 : vector<512x1xf32>
    %convert_element_type3A_163 = arith.truncf %broadcast_in_dim3A_151 : vector<512x1xf32> to vector<512x1xbf16>
    %convert_element_type3A_164 = arith.extf %convert_element_type3A_163 : vector<512x1xbf16> to vector<512x1xf32>
    %select_n3A_165 = arith.select %lt3A_162, %select_n3A_111, %convert_element_type3A_164 : vector<512x1xi1>, vector<512x1xf32>
    %get3A_166 = arith.constant 0 : index
    %get3A_167 = arith.constant 3072 : index
    %get3A_168 = vector.load %arg2[%get3A_166, %get3A_167] : memref<8x7168xf32, #tpu.memory_space<vmem>>, vector<8x1024xf32>
    %slice3A_169 = vector.extract_strided_slice %get3A_168 {offsets = [0, 0], sizes = [1, 1024], strides = [1, 1]} : vector<8x1024xf32> to vector<1x1024xf32>
    %slice3A_170 = vector.extract_strided_slice %get3A_168 {offsets = [0, 0], sizes = [1, 1024], strides = [1, 1]} : vector<8x1024xf32> to vector<1x1024xf32>
    %mul3A_171 = arith.mulf %slice3A_169, %slice3A_170 : vector<1x1024xf32>
    %slice3A_172 = vector.extract_strided_slice %get3A_168 {offsets = [1, 0], sizes = [1, 1024], strides = [1, 1]} : vector<8x1024xf32> to vector<1x1024xf32>
    %slice3A_173 = vector.extract_strided_slice %get3A_168 {offsets = [1, 0], sizes = [1, 1024], strides = [1, 1]} : vector<8x1024xf32> to vector<1x1024xf32>
    %mul3A_174 = arith.mulf %slice3A_172, %slice3A_173 : vector<1x1024xf32>
    %add3A_175 = arith.addf %mul3A_171, %mul3A_174 : vector<1x1024xf32>
    %slice3A_176 = vector.extract_strided_slice %get3A_168 {offsets = [2, 0], sizes = [1, 1024], strides = [1, 1]} : vector<8x1024xf32> to vector<1x1024xf32>
    %slice3A_177 = vector.extract_strided_slice %get3A_168 {offsets = [2, 0], sizes = [1, 1024], strides = [1, 1]} : vector<8x1024xf32> to vector<1x1024xf32>
    %mul3A_178 = arith.mulf %slice3A_176, %slice3A_177 : vector<1x1024xf32>
    %add3A_179 = arith.addf %add3A_175, %mul3A_178 : vector<1x1024xf32>
    %convert_element_type3A_180 = arith.truncf %get3A_168 : vector<8x1024xf32> to vector<8x1024xbf16>
    %dot_general3A_181 = arith.constant dense<0.000000e+00> : vector<512x1024xf32>
    %dot_general3A_182 = tpu.matmul %convert_element_type3A, %convert_element_type3A_180, %dot_general3A_181 {dimension_numbers = #tpu.dot_dimension_numbers<[1], [0], [0], [1], [0, 0, 1, 1], [], []>, transpose_lhs_hint = false} : vector<512x8xbf16>, vector<8x1024xbf16>, vector<512x1024xf32> -> vector<512x1024xf32>
    %add3A_183 = vector.broadcast %add3A_9 : vector<512x1xf32> to vector<512x1024xf32>
    %add3A_184 = vector.broadcast %add3A_179 : vector<1x1024xf32> to vector<512x1024xf32>
    %add3A_185 = arith.addf %add3A_183, %add3A_184 : vector<512x1024xf32>
    %mul3A_186 = arith.constant 2.000000e+00 : f32
    %mul3A_187 = vector.broadcast %mul3A_186 : f32 to vector<512x1024xf32>
    %mul3A_188 = arith.mulf %mul3A_187, %dot_general3A_182 : vector<512x1024xf32>
    %sub3A_189 = arith.subf %add3A_185, %mul3A_188 : vector<512x1024xf32>
    %max3A_190 = arith.constant 0.000000e+00 : f32
    %max3A_191 = vector.broadcast %max3A_190 : f32 to vector<512x1024xf32>
    %max3A_192 = arith.maximumf %sub3A_189, %max3A_191 : vector<512x1024xf32>
    %sqrt3A_193 = math.sqrt %max3A_192 : vector<512x1024xf32>
    %add3A_194 = arith.constant 3072 : i32
    %add3A_195 = vector.broadcast %add3A_194 : i32 to vector<512x1024xi32>
    %add3A_196 = arith.addi %add3A_195, %iota3A : vector<512x1024xi32>
    %lt3A_197 = arith.constant 6890 : i32
    %lt3A_198 = vector.broadcast %lt3A_197 : i32 to vector<512x1024xi32>
    %lt3A_199 = arith.cmpi slt, %add3A_196, %lt3A_198 : vector<512x1024xi32>
    %jit3A_200 = arith.constant 0x7F800000 : f32
    %broadcast_in_dim3A_201 = vector.broadcast %jit3A_200 : f32 to vector<512x1024xf32>
    %select_n3A_202 = arith.select %lt3A_199, %sqrt3A_193, %broadcast_in_dim3A_201 : vector<512x1024xi1>, vector<512x1024xf32>
    %reduce_min3A_203 = arith.constant dense<0x7F800000> : vector<512xf32>
    %reduce_min3A_204 = vector.multi_reduction <minimumf>, %select_n3A_202, %reduce_min3A_203 [1] : vector<512x1024xf32> to vector<512xf32>
    %broadcast_in_dim3A_205 = vector.shape_cast %reduce_min3A_204 : vector<512xf32> to vector<512x1xf32>
    %eq3A_206 = vector.broadcast %broadcast_in_dim3A_205 : vector<512x1xf32> to vector<512x1024xf32>
    %eq3A_207 = arith.cmpf oeq, %select_n3A_202, %eq3A_206 : vector<512x1024xf32>
    %jit3A_208 = arith.constant 2147483647 : i32
    %broadcast_in_dim3A_209 = vector.broadcast %jit3A_208 : i32 to vector<512x1024xi32>
    %select_n3A_210 = arith.select %eq3A_207, %add3A_196, %broadcast_in_dim3A_209 : vector<512x1024xi1>, vector<512x1024xi32>
    %reduce_min3A_211 = arith.constant dense<2147483647> : vector<512xi32>
    %reduce_min3A_212 = vector.multi_reduction <minsi>, %select_n3A_210, %reduce_min3A_211 [1] : vector<512x1024xi32> to vector<512xi32>
    %broadcast_in_dim3A_213 = vector.shape_cast %reduce_min3A_212 : vector<512xi32> to vector<512x1xi32>
    %lt3A_214 = arith.cmpf olt, %broadcast_in_dim3A_205, %select_n3A_165 : vector<512x1xf32>
    %select_n3A_215 = arith.select %lt3A_214, %broadcast_in_dim3A_213, %select_n3A_161 : vector<512x1xi1>, vector<512x1xi32>
    %lt3A_216 = arith.cmpf olt, %select_n3A_165, %broadcast_in_dim3A_205 : vector<512x1xf32>
    %convert_element_type3A_217 = arith.truncf %broadcast_in_dim3A_205 : vector<512x1xf32> to vector<512x1xbf16>
    %convert_element_type3A_218 = arith.extf %convert_element_type3A_217 : vector<512x1xbf16> to vector<512x1xf32>
    %select_n3A_219 = arith.select %lt3A_216, %select_n3A_165, %convert_element_type3A_218 : vector<512x1xi1>, vector<512x1xf32>
    %get3A_220 = arith.constant 0 : index
    %get3A_221 = arith.constant 4096 : index
    %get3A_222 = vector.load %arg2[%get3A_220, %get3A_221] : memref<8x7168xf32, #tpu.memory_space<vmem>>, vector<8x1024xf32>
    %slice3A_223 = vector.extract_strided_slice %get3A_222 {offsets = [0, 0], sizes = [1, 1024], strides = [1, 1]} : vector<8x1024xf32> to vector<1x1024xf32>
    %slice3A_224 = vector.extract_strided_slice %get3A_222 {offsets = [0, 0], sizes = [1, 1024], strides = [1, 1]} : vector<8x1024xf32> to vector<1x1024xf32>
    %mul3A_225 = arith.mulf %slice3A_223, %slice3A_224 : vector<1x1024xf32>
    %slice3A_226 = vector.extract_strided_slice %get3A_222 {offsets = [1, 0], sizes = [1, 1024], strides = [1, 1]} : vector<8x1024xf32> to vector<1x1024xf32>
    %slice3A_227 = vector.extract_strided_slice %get3A_222 {offsets = [1, 0], sizes = [1, 1024], strides = [1, 1]} : vector<8x1024xf32> to vector<1x1024xf32>
    %mul3A_228 = arith.mulf %slice3A_226, %slice3A_227 : vector<1x1024xf32>
    %add3A_229 = arith.addf %mul3A_225, %mul3A_228 : vector<1x1024xf32>
    %slice3A_230 = vector.extract_strided_slice %get3A_222 {offsets = [2, 0], sizes = [1, 1024], strides = [1, 1]} : vector<8x1024xf32> to vector<1x1024xf32>
    %slice3A_231 = vector.extract_strided_slice %get3A_222 {offsets = [2, 0], sizes = [1, 1024], strides = [1, 1]} : vector<8x1024xf32> to vector<1x1024xf32>
    %mul3A_232 = arith.mulf %slice3A_230, %slice3A_231 : vector<1x1024xf32>
    %add3A_233 = arith.addf %add3A_229, %mul3A_232 : vector<1x1024xf32>
    %convert_element_type3A_234 = arith.truncf %get3A_222 : vector<8x1024xf32> to vector<8x1024xbf16>
    %dot_general3A_235 = arith.constant dense<0.000000e+00> : vector<512x1024xf32>
    %dot_general3A_236 = tpu.matmul %convert_element_type3A, %convert_element_type3A_234, %dot_general3A_235 {dimension_numbers = #tpu.dot_dimension_numbers<[1], [0], [0], [1], [0, 0, 1, 1], [], []>, transpose_lhs_hint = false} : vector<512x8xbf16>, vector<8x1024xbf16>, vector<512x1024xf32> -> vector<512x1024xf32>
    %add3A_237 = vector.broadcast %add3A_9 : vector<512x1xf32> to vector<512x1024xf32>
    %add3A_238 = vector.broadcast %add3A_233 : vector<1x1024xf32> to vector<512x1024xf32>
    %add3A_239 = arith.addf %add3A_237, %add3A_238 : vector<512x1024xf32>
    %mul3A_240 = arith.constant 2.000000e+00 : f32
    %mul3A_241 = vector.broadcast %mul3A_240 : f32 to vector<512x1024xf32>
    %mul3A_242 = arith.mulf %mul3A_241, %dot_general3A_236 : vector<512x1024xf32>
    %sub3A_243 = arith.subf %add3A_239, %mul3A_242 : vector<512x1024xf32>
    %max3A_244 = arith.constant 0.000000e+00 : f32
    %max3A_245 = vector.broadcast %max3A_244 : f32 to vector<512x1024xf32>
    %max3A_246 = arith.maximumf %sub3A_243, %max3A_245 : vector<512x1024xf32>
    %sqrt3A_247 = math.sqrt %max3A_246 : vector<512x1024xf32>
    %add3A_248 = arith.constant 4096 : i32
    %add3A_249 = vector.broadcast %add3A_248 : i32 to vector<512x1024xi32>
    %add3A_250 = arith.addi %add3A_249, %iota3A : vector<512x1024xi32>
    %lt3A_251 = arith.constant 6890 : i32
    %lt3A_252 = vector.broadcast %lt3A_251 : i32 to vector<512x1024xi32>
    %lt3A_253 = arith.cmpi slt, %add3A_250, %lt3A_252 : vector<512x1024xi32>
    %jit3A_254 = arith.constant 0x7F800000 : f32
    %broadcast_in_dim3A_255 = vector.broadcast %jit3A_254 : f32 to vector<512x1024xf32>
    %select_n3A_256 = arith.select %lt3A_253, %sqrt3A_247, %broadcast_in_dim3A_255 : vector<512x1024xi1>, vector<512x1024xf32>
    %reduce_min3A_257 = arith.constant dense<0x7F800000> : vector<512xf32>
    %reduce_min3A_258 = vector.multi_reduction <minimumf>, %select_n3A_256, %reduce_min3A_257 [1] : vector<512x1024xf32> to vector<512xf32>
    %broadcast_in_dim3A_259 = vector.shape_cast %reduce_min3A_258 : vector<512xf32> to vector<512x1xf32>
    %eq3A_260 = vector.broadcast %broadcast_in_dim3A_259 : vector<512x1xf32> to vector<512x1024xf32>
    %eq3A_261 = arith.cmpf oeq, %select_n3A_256, %eq3A_260 : vector<512x1024xf32>
    %jit3A_262 = arith.constant 2147483647 : i32
    %broadcast_in_dim3A_263 = vector.broadcast %jit3A_262 : i32 to vector<512x1024xi32>
    %select_n3A_264 = arith.select %eq3A_261, %add3A_250, %broadcast_in_dim3A_263 : vector<512x1024xi1>, vector<512x1024xi32>
    %reduce_min3A_265 = arith.constant dense<2147483647> : vector<512xi32>
    %reduce_min3A_266 = vector.multi_reduction <minsi>, %select_n3A_264, %reduce_min3A_265 [1] : vector<512x1024xi32> to vector<512xi32>
    %broadcast_in_dim3A_267 = vector.shape_cast %reduce_min3A_266 : vector<512xi32> to vector<512x1xi32>
    %lt3A_268 = arith.cmpf olt, %broadcast_in_dim3A_259, %select_n3A_219 : vector<512x1xf32>
    %select_n3A_269 = arith.select %lt3A_268, %broadcast_in_dim3A_267, %select_n3A_215 : vector<512x1xi1>, vector<512x1xi32>
    %lt3A_270 = arith.cmpf olt, %select_n3A_219, %broadcast_in_dim3A_259 : vector<512x1xf32>
    %convert_element_type3A_271 = arith.truncf %broadcast_in_dim3A_259 : vector<512x1xf32> to vector<512x1xbf16>
    %convert_element_type3A_272 = arith.extf %convert_element_type3A_271 : vector<512x1xbf16> to vector<512x1xf32>
    %select_n3A_273 = arith.select %lt3A_270, %select_n3A_219, %convert_element_type3A_272 : vector<512x1xi1>, vector<512x1xf32>
    %get3A_274 = arith.constant 0 : index
    %get3A_275 = arith.constant 5120 : index
    %get3A_276 = vector.load %arg2[%get3A_274, %get3A_275] : memref<8x7168xf32, #tpu.memory_space<vmem>>, vector<8x1024xf32>
    %slice3A_277 = vector.extract_strided_slice %get3A_276 {offsets = [0, 0], sizes = [1, 1024], strides = [1, 1]} : vector<8x1024xf32> to vector<1x1024xf32>
    %slice3A_278 = vector.extract_strided_slice %get3A_276 {offsets = [0, 0], sizes = [1, 1024], strides = [1, 1]} : vector<8x1024xf32> to vector<1x1024xf32>
    %mul3A_279 = arith.mulf %slice3A_277, %slice3A_278 : vector<1x1024xf32>
    %slice3A_280 = vector.extract_strided_slice %get3A_276 {offsets = [1, 0], sizes = [1, 1024], strides = [1, 1]} : vector<8x1024xf32> to vector<1x1024xf32>
    %slice3A_281 = vector.extract_strided_slice %get3A_276 {offsets = [1, 0], sizes = [1, 1024], strides = [1, 1]} : vector<8x1024xf32> to vector<1x1024xf32>
    %mul3A_282 = arith.mulf %slice3A_280, %slice3A_281 : vector<1x1024xf32>
    %add3A_283 = arith.addf %mul3A_279, %mul3A_282 : vector<1x1024xf32>
    %slice3A_284 = vector.extract_strided_slice %get3A_276 {offsets = [2, 0], sizes = [1, 1024], strides = [1, 1]} : vector<8x1024xf32> to vector<1x1024xf32>
    %slice3A_285 = vector.extract_strided_slice %get3A_276 {offsets = [2, 0], sizes = [1, 1024], strides = [1, 1]} : vector<8x1024xf32> to vector<1x1024xf32>
    %mul3A_286 = arith.mulf %slice3A_284, %slice3A_285 : vector<1x1024xf32>
    %add3A_287 = arith.addf %add3A_283, %mul3A_286 : vector<1x1024xf32>
    %convert_element_type3A_288 = arith.truncf %get3A_276 : vector<8x1024xf32> to vector<8x1024xbf16>
    %dot_general3A_289 = arith.constant dense<0.000000e+00> : vector<512x1024xf32>
    %dot_general3A_290 = tpu.matmul %convert_element_type3A, %convert_element_type3A_288, %dot_general3A_289 {dimension_numbers = #tpu.dot_dimension_numbers<[1], [0], [0], [1], [0, 0, 1, 1], [], []>, transpose_lhs_hint = false} : vector<512x8xbf16>, vector<8x1024xbf16>, vector<512x1024xf32> -> vector<512x1024xf32>
    %add3A_291 = vector.broadcast %add3A_9 : vector<512x1xf32> to vector<512x1024xf32>
    %add3A_292 = vector.broadcast %add3A_287 : vector<1x1024xf32> to vector<512x1024xf32>
    %add3A_293 = arith.addf %add3A_291, %add3A_292 : vector<512x1024xf32>
    %mul3A_294 = arith.constant 2.000000e+00 : f32
    %mul3A_295 = vector.broadcast %mul3A_294 : f32 to vector<512x1024xf32>
    %mul3A_296 = arith.mulf %mul3A_295, %dot_general3A_290 : vector<512x1024xf32>
    %sub3A_297 = arith.subf %add3A_293, %mul3A_296 : vector<512x1024xf32>
    %max3A_298 = arith.constant 0.000000e+00 : f32
    %max3A_299 = vector.broadcast %max3A_298 : f32 to vector<512x1024xf32>
    %max3A_300 = arith.maximumf %sub3A_297, %max3A_299 : vector<512x1024xf32>
    %sqrt3A_301 = math.sqrt %max3A_300 : vector<512x1024xf32>
    %add3A_302 = arith.constant 5120 : i32
    %add3A_303 = vector.broadcast %add3A_302 : i32 to vector<512x1024xi32>
    %add3A_304 = arith.addi %add3A_303, %iota3A : vector<512x1024xi32>
    %lt3A_305 = arith.constant 6890 : i32
    %lt3A_306 = vector.broadcast %lt3A_305 : i32 to vector<512x1024xi32>
    %lt3A_307 = arith.cmpi slt, %add3A_304, %lt3A_306 : vector<512x1024xi32>
    %jit3A_308 = arith.constant 0x7F800000 : f32
    %broadcast_in_dim3A_309 = vector.broadcast %jit3A_308 : f32 to vector<512x1024xf32>
    %select_n3A_310 = arith.select %lt3A_307, %sqrt3A_301, %broadcast_in_dim3A_309 : vector<512x1024xi1>, vector<512x1024xf32>
    %reduce_min3A_311 = arith.constant dense<0x7F800000> : vector<512xf32>
    %reduce_min3A_312 = vector.multi_reduction <minimumf>, %select_n3A_310, %reduce_min3A_311 [1] : vector<512x1024xf32> to vector<512xf32>
    %broadcast_in_dim3A_313 = vector.shape_cast %reduce_min3A_312 : vector<512xf32> to vector<512x1xf32>
    %eq3A_314 = vector.broadcast %broadcast_in_dim3A_313 : vector<512x1xf32> to vector<512x1024xf32>
    %eq3A_315 = arith.cmpf oeq, %select_n3A_310, %eq3A_314 : vector<512x1024xf32>
    %jit3A_316 = arith.constant 2147483647 : i32
    %broadcast_in_dim3A_317 = vector.broadcast %jit3A_316 : i32 to vector<512x1024xi32>
    %select_n3A_318 = arith.select %eq3A_315, %add3A_304, %broadcast_in_dim3A_317 : vector<512x1024xi1>, vector<512x1024xi32>
    %reduce_min3A_319 = arith.constant dense<2147483647> : vector<512xi32>
    %reduce_min3A_320 = vector.multi_reduction <minsi>, %select_n3A_318, %reduce_min3A_319 [1] : vector<512x1024xi32> to vector<512xi32>
    %broadcast_in_dim3A_321 = vector.shape_cast %reduce_min3A_320 : vector<512xi32> to vector<512x1xi32>
    %lt3A_322 = arith.cmpf olt, %broadcast_in_dim3A_313, %select_n3A_273 : vector<512x1xf32>
    %select_n3A_323 = arith.select %lt3A_322, %broadcast_in_dim3A_321, %select_n3A_269 : vector<512x1xi1>, vector<512x1xi32>
    %lt3A_324 = arith.cmpf olt, %select_n3A_273, %broadcast_in_dim3A_313 : vector<512x1xf32>
    %convert_element_type3A_325 = arith.truncf %broadcast_in_dim3A_313 : vector<512x1xf32> to vector<512x1xbf16>
    %convert_element_type3A_326 = arith.extf %convert_element_type3A_325 : vector<512x1xbf16> to vector<512x1xf32>
    %select_n3A_327 = arith.select %lt3A_324, %select_n3A_273, %convert_element_type3A_326 : vector<512x1xi1>, vector<512x1xf32>
    %get3A_328 = arith.constant 0 : index
    %get3A_329 = arith.constant 6144 : index
    %get3A_330 = vector.load %arg2[%get3A_328, %get3A_329] : memref<8x7168xf32, #tpu.memory_space<vmem>>, vector<8x1024xf32>
    %slice3A_331 = vector.extract_strided_slice %get3A_330 {offsets = [0, 0], sizes = [1, 1024], strides = [1, 1]} : vector<8x1024xf32> to vector<1x1024xf32>
    %slice3A_332 = vector.extract_strided_slice %get3A_330 {offsets = [0, 0], sizes = [1, 1024], strides = [1, 1]} : vector<8x1024xf32> to vector<1x1024xf32>
    %mul3A_333 = arith.mulf %slice3A_331, %slice3A_332 : vector<1x1024xf32>
    %slice3A_334 = vector.extract_strided_slice %get3A_330 {offsets = [1, 0], sizes = [1, 1024], strides = [1, 1]} : vector<8x1024xf32> to vector<1x1024xf32>
    %slice3A_335 = vector.extract_strided_slice %get3A_330 {offsets = [1, 0], sizes = [1, 1024], strides = [1, 1]} : vector<8x1024xf32> to vector<1x1024xf32>
    %mul3A_336 = arith.mulf %slice3A_334, %slice3A_335 : vector<1x1024xf32>
    %add3A_337 = arith.addf %mul3A_333, %mul3A_336 : vector<1x1024xf32>
    %slice3A_338 = vector.extract_strided_slice %get3A_330 {offsets = [2, 0], sizes = [1, 1024], strides = [1, 1]} : vector<8x1024xf32> to vector<1x1024xf32>
    %slice3A_339 = vector.extract_strided_slice %get3A_330 {offsets = [2, 0], sizes = [1, 1024], strides = [1, 1]} : vector<8x1024xf32> to vector<1x1024xf32>
    %mul3A_340 = arith.mulf %slice3A_338, %slice3A_339 : vector<1x1024xf32>
    %add3A_341 = arith.addf %add3A_337, %mul3A_340 : vector<1x1024xf32>
    %convert_element_type3A_342 = arith.truncf %get3A_330 : vector<8x1024xf32> to vector<8x1024xbf16>
    %dot_general3A_343 = arith.constant dense<0.000000e+00> : vector<512x1024xf32>
    %dot_general3A_344 = tpu.matmul %convert_element_type3A, %convert_element_type3A_342, %dot_general3A_343 {dimension_numbers = #tpu.dot_dimension_numbers<[1], [0], [0], [1], [0, 0, 1, 1], [], []>, transpose_lhs_hint = false} : vector<512x8xbf16>, vector<8x1024xbf16>, vector<512x1024xf32> -> vector<512x1024xf32>
    %add3A_345 = vector.broadcast %add3A_9 : vector<512x1xf32> to vector<512x1024xf32>
    %add3A_346 = vector.broadcast %add3A_341 : vector<1x1024xf32> to vector<512x1024xf32>
    %add3A_347 = arith.addf %add3A_345, %add3A_346 : vector<512x1024xf32>
    %mul3A_348 = arith.constant 2.000000e+00 : f32
    %mul3A_349 = vector.broadcast %mul3A_348 : f32 to vector<512x1024xf32>
    %mul3A_350 = arith.mulf %mul3A_349, %dot_general3A_344 : vector<512x1024xf32>
    %sub3A_351 = arith.subf %add3A_347, %mul3A_350 : vector<512x1024xf32>
    %max3A_352 = arith.constant 0.000000e+00 : f32
    %max3A_353 = vector.broadcast %max3A_352 : f32 to vector<512x1024xf32>
    %max3A_354 = arith.maximumf %sub3A_351, %max3A_353 : vector<512x1024xf32>
    %sqrt3A_355 = math.sqrt %max3A_354 : vector<512x1024xf32>
    %add3A_356 = arith.constant 6144 : i32
    %add3A_357 = vector.broadcast %add3A_356 : i32 to vector<512x1024xi32>
    %add3A_358 = arith.addi %add3A_357, %iota3A : vector<512x1024xi32>
    %lt3A_359 = arith.constant 6890 : i32
    %lt3A_360 = vector.broadcast %lt3A_359 : i32 to vector<512x1024xi32>
    %lt3A_361 = arith.cmpi slt, %add3A_358, %lt3A_360 : vector<512x1024xi32>
    %jit3A_362 = arith.constant 0x7F800000 : f32
    %broadcast_in_dim3A_363 = vector.broadcast %jit3A_362 : f32 to vector<512x1024xf32>
    %select_n3A_364 = arith.select %lt3A_361, %sqrt3A_355, %broadcast_in_dim3A_363 : vector<512x1024xi1>, vector<512x1024xf32>
    %reduce_min3A_365 = arith.constant dense<0x7F800000> : vector<512xf32>
    %reduce_min3A_366 = vector.multi_reduction <minimumf>, %select_n3A_364, %reduce_min3A_365 [1] : vector<512x1024xf32> to vector<512xf32>
    %broadcast_in_dim3A_367 = vector.shape_cast %reduce_min3A_366 : vector<512xf32> to vector<512x1xf32>
    %eq3A_368 = vector.broadcast %broadcast_in_dim3A_367 : vector<512x1xf32> to vector<512x1024xf32>
    %eq3A_369 = arith.cmpf oeq, %select_n3A_364, %eq3A_368 : vector<512x1024xf32>
    %jit3A_370 = arith.constant 2147483647 : i32
    %broadcast_in_dim3A_371 = vector.broadcast %jit3A_370 : i32 to vector<512x1024xi32>
    %select_n3A_372 = arith.select %eq3A_369, %add3A_358, %broadcast_in_dim3A_371 : vector<512x1024xi1>, vector<512x1024xi32>
    %reduce_min3A_373 = arith.constant dense<2147483647> : vector<512xi32>
    %reduce_min3A_374 = vector.multi_reduction <minsi>, %select_n3A_372, %reduce_min3A_373 [1] : vector<512x1024xi32> to vector<512xi32>
    %broadcast_in_dim3A_375 = vector.shape_cast %reduce_min3A_374 : vector<512xi32> to vector<512x1xi32>
    %lt3A_376 = arith.cmpf olt, %broadcast_in_dim3A_367, %select_n3A_327 : vector<512x1xf32>
    %select_n3A_377 = arith.select %lt3A_376, %broadcast_in_dim3A_375, %select_n3A_323 : vector<512x1xi1>, vector<512x1xi32>
    %squeeze3A = vector.shape_cast %select_n3A_377 : vector<512x1xi32> to vector<512xi32>
    %swap3A = arith.constant 0 : index
    %swap3A_378 = arith.constant 0 : index
    %swap3A_379 = arith.constant 0 : index
    %swap3A_380 = vector.load %arg3[%swap3A, %swap3A_378, %swap3A_379] : memref<1x1x512xi32, #tpu.memory_space<vmem>>, vector<1x1x512xi32>
    %swap3A_381 = vector.shape_cast %swap3A_380 : vector<1x1x512xi32> to vector<512xi32>
    %swap3A_382 = vector.shape_cast %squeeze3A : vector<512xi32> to vector<1x1x512xi32>
    tpu.vector_store %arg3[%swap3A, %swap3A_378, %swap3A_379], %swap3A_382 {strides = array<i32>} : memref<1x1x512xi32, #tpu.memory_space<vmem>>, vector<1x1x512xi32>,
    return
  }
  func.func @transform_0(%arg0: i32) -> (i32, i32) {
    %c0_i32 = arith.constant 0 : i32
    %c0_i32_0 = arith.constant 0 : i32
    return %arg0, %c0_i32 : i32, i32
  }
  func.func @transform_1(%arg0: i32) -> (i32, i32) {
    %c0_i32 = arith.constant 0 : i32
    %c0_i32_0 = arith.constant 0 : i32
    %c0_i32_1 = arith.constant 0 : i32
    return %c0_i32, %c0_i32_0 : i32, i32
  }
  func.func @transform_2(%arg0: i32) -> (i32, i32, i32) {
    %c0_i32 = arith.constant 0 : i32
    %c0_i32_0 = arith.constant 0 : i32
    %c0_i32_1 = arith.constant 0 : i32
    return %arg0, %c0_i32, %c0_i32_0 : i32, i32, i32
  }
}

module attributes {stable_mosaic.version = 14 : i64} {
  func.func @_apply_body(%arg0: i32, %arg1: memref<512x8xf32, #tpu.memory_space<vmem>>, %arg2: memref<512x128xf32, #tpu.memory_space<vmem>>, %arg3: memref<512x4xf32, #tpu.memory_space<vmem>>, %arg4: memref<512x4xf32, #tpu.memory_space<vmem>>) attributes {dimension_semantics = [#tpu.dimension_semantics<arbitrary>], iteration_bounds = array<i64: 32>, scalar_prefetch = 0 : i64, scratch_operands = 0 : i64, tpu.core_type = #tpu.core_type<tc>, window_params = [{transform_indices = @transform_0, window_bounds = array<i64: 512, 8>}, {transform_indices = @transform_1, window_bounds = array<i64: 512, 128>}, {transform_indices = @transform_2, window_bounds = array<i64: 512, 4>}, {transform_indices = @transform_3, window_bounds = array<i64: 512, 4>}]} {
    %get3A = arith.constant 0 : index
    %get3A_0 = arith.constant 0 : index
    %get3A_1 = vector.load %arg1[%get3A, %get3A_0] : memref<512x8xf32, #tpu.memory_space<vmem>>, vector<512x8xf32>
    %iota3A = tpu.iota {dimensions = array<i32: 0>} : vector<8x16xi32>
    %iota3A_2 = tpu.iota {dimensions = array<i32: 1>} : vector<8x16xi32>
    %jit3A = arith.constant 4 : i32
    %eq3A = arith.constant 0 : i32
    %eq3A_3 = arith.cmpi eq, %jit3A, %eq3A : i32
    %jit3A_4 = arith.constant 1 : i32
    %select_n3A = arith.select %eq3A_3, %jit3A_4, %jit3A : i32
    %rem3A = vector.broadcast %select_n3A : i32 to vector<8x16xi32>
    %rem3A_5 = arith.remsi %iota3A_2, %rem3A : vector<8x16xi32>
    %ne3A = arith.constant 0 : i32
    %ne3A_6 = vector.broadcast %ne3A : i32 to vector<8x16xi32>
    %ne3A_7 = arith.cmpi ne, %rem3A_5, %ne3A_6 : vector<8x16xi32>
    %lt3A = arith.constant 0 : i32
    %lt3A_8 = vector.broadcast %lt3A : i32 to vector<8x16xi32>
    %lt3A_9 = arith.cmpi slt, %rem3A_5, %lt3A_8 : vector<8x16xi32>
    %lt3A_10 = arith.constant 0 : i32
    %lt3A_11 = arith.cmpi slt, %select_n3A, %lt3A_10 : i32
    %ne3A_12 = vector.broadcast %lt3A_11 : i1 to vector<8x16xi1>
    %ne3A_13 = vector.broadcast %ne3A_12 : vector<8x16xi1> to vector<8x16xi1>
    %ne3A_14 = arith.xori %lt3A_9, %ne3A_13 : vector<8x16xi1>
    %and3A = arith.andi %ne3A_14, %ne3A_7 : vector<8x16xi1>
    %add3A = vector.broadcast %select_n3A : i32 to vector<8x16xi32>
    %add3A_15 = arith.addi %rem3A_5, %add3A : vector<8x16xi32>
    %select_n3A_16 = arith.select %and3A, %add3A_15, %rem3A_5 : vector<8x16xi1>, vector<8x16xi32>
    %eq3A_17 = arith.cmpi eq, %iota3A, %select_n3A_16 : vector<8x16xi32>
    %lt3A_18 = arith.constant 3 : i32
    %lt3A_19 = vector.broadcast %lt3A_18 : i32 to vector<8x16xi32>
    %lt3A_20 = arith.cmpi slt, %select_n3A_16, %lt3A_19 : vector<8x16xi32>
    %and3A_21 = arith.andi %eq3A_17, %lt3A_20 : vector<8x16xi1>
    %lt3A_22 = arith.constant 2 : i32
    %lt3A_23 = vector.broadcast %lt3A_22 : i32 to vector<8x16xi32>
    %lt3A_24 = arith.cmpi slt, %select_n3A_16, %lt3A_23 : vector<8x16xi32>
    %jit3A_25 = arith.constant -1.000000e+00 : f32
    %jit3A_26 = arith.constant 1.000000e+00 : f32
    %broadcast_in_dim3A = vector.broadcast %jit3A_25 : f32 to vector<8x16xf32>
    %broadcast_in_dim3A_27 = vector.broadcast %jit3A_26 : f32 to vector<8x16xf32>
    %select_n3A_28 = arith.select %lt3A_24, %broadcast_in_dim3A, %broadcast_in_dim3A_27 : vector<8x16xi1>, vector<8x16xf32>
    %jit3A_29 = arith.constant 0.000000e+00 : f32
    %broadcast_in_dim3A_30 = vector.broadcast %jit3A_29 : f32 to vector<8x16xf32>
    %select_n3A_31 = arith.select %and3A_21, %select_n3A_28, %broadcast_in_dim3A_30 : vector<8x16xi1>, vector<8x16xf32>
    %iota3A_32 = tpu.iota {dimensions = array<i32: 1>} : vector<1x16xi32>
    %jit3A_33 = arith.constant 4 : i32
    %eq3A_34 = arith.constant 0 : i32
    %eq3A_35 = arith.cmpi eq, %jit3A_33, %eq3A_34 : i32
    %jit3A_36 = arith.constant 1 : i32
    %select_n3A_37 = arith.select %eq3A_35, %jit3A_36, %jit3A_33 : i32
    %rem3A_38 = vector.broadcast %select_n3A_37 : i32 to vector<1x16xi32>
    %rem3A_39 = arith.remsi %iota3A_32, %rem3A_38 : vector<1x16xi32>
    %ne3A_40 = arith.constant 0 : i32
    %ne3A_41 = vector.broadcast %ne3A_40 : i32 to vector<1x16xi32>
    %ne3A_42 = arith.cmpi ne, %rem3A_39, %ne3A_41 : vector<1x16xi32>
    %lt3A_43 = arith.constant 0 : i32
    %lt3A_44 = vector.broadcast %lt3A_43 : i32 to vector<1x16xi32>
    %lt3A_45 = arith.cmpi slt, %rem3A_39, %lt3A_44 : vector<1x16xi32>
    %lt3A_46 = arith.constant 0 : i32
    %lt3A_47 = arith.cmpi slt, %select_n3A_37, %lt3A_46 : i32
    %ne3A_48 = vector.broadcast %lt3A_47 : i1 to vector<1x16xi1>
    %ne3A_49 = vector.broadcast %ne3A_48 : vector<1x16xi1> to vector<1x16xi1>
    %ne3A_50 = arith.xori %lt3A_45, %ne3A_49 : vector<1x16xi1>
    %and3A_51 = arith.andi %ne3A_50, %ne3A_42 : vector<1x16xi1>
    %add3A_52 = vector.broadcast %select_n3A_37 : i32 to vector<1x16xi32>
    %add3A_53 = arith.addi %rem3A_39, %add3A_52 : vector<1x16xi32>
    %select_n3A_54 = arith.select %and3A_51, %add3A_53, %rem3A_39 : vector<1x16xi1>, vector<1x16xi32>
    %eq3A_55 = arith.constant 3 : i32
    %eq3A_56 = vector.broadcast %eq3A_55 : i32 to vector<1x16xi32>
    %eq3A_57 = arith.cmpi eq, %select_n3A_54, %eq3A_56 : vector<1x16xi32>
    %jit3A_58 = arith.constant 1.000000e+00 : f32
    %jit3A_59 = arith.constant 0.000000e+00 : f32
    %broadcast_in_dim3A_60 = vector.broadcast %jit3A_58 : f32 to vector<1x16xf32>
    %broadcast_in_dim3A_61 = vector.broadcast %jit3A_59 : f32 to vector<1x16xf32>
    %select_n3A_62 = arith.select %eq3A_57, %broadcast_in_dim3A_60, %broadcast_in_dim3A_61 : vector<1x16xi1>, vector<1x16xf32>
    %iota3A_63 = tpu.iota {dimensions = array<i32: 0>} : vector<16x4xi32>
    %iota3A_64 = tpu.iota {dimensions = array<i32: 1>} : vector<16x4xi32>
    %jit3A_65 = arith.constant 4 : i32
    %div3A = vector.broadcast %jit3A_65 : i32 to vector<16x4xi32>
    %div3A_66 = arith.divsi %iota3A_63, %div3A : vector<16x4xi32>
    %sign3A = arith.constant 0 : i32
    %sign3A_67 = vector.broadcast %sign3A : i32 to vector<16x4xi32>
    %sign3A_68 = arith.cmpi sgt, %iota3A_63, %sign3A_67 : vector<16x4xi32>
    %sign3A_69 = arith.extui %sign3A_68 : vector<16x4xi1> to vector<16x4xi32>
    %sign3A_70 = arith.constant 0 : i32
    %sign3A_71 = vector.broadcast %sign3A_70 : i32 to vector<16x4xi32>
    %sign3A_72 = arith.cmpi slt, %iota3A_63, %sign3A_71 : vector<16x4xi32>
    %sign3A_73 = arith.extui %sign3A_72 : vector<16x4xi1> to vector<16x4xi32>
    %sign3A_74 = arith.subi %sign3A_69, %sign3A_73 : vector<16x4xi32>
    %sign3A_75 = arith.constant 0 : i32
    %sign3A_76 = arith.cmpi sgt, %jit3A_65, %sign3A_75 : i32
    %sign3A_77 = arith.extui %sign3A_76 : i1 to i32
    %sign3A_78 = arith.constant 0 : i32
    %sign3A_79 = arith.cmpi slt, %jit3A_65, %sign3A_78 : i32
    %sign3A_80 = arith.extui %sign3A_79 : i1 to i32
    %sign3A_81 = arith.subi %sign3A_77, %sign3A_80 : i32
    %ne3A_82 = vector.broadcast %sign3A_81 : i32 to vector<16x4xi32>
    %ne3A_83 = arith.cmpi ne, %sign3A_74, %ne3A_82 : vector<16x4xi32>
    %rem3A_84 = vector.broadcast %jit3A_65 : i32 to vector<16x4xi32>
    %rem3A_85 = arith.remsi %iota3A_63, %rem3A_84 : vector<16x4xi32>
    %ne3A_86 = arith.constant 0 : i32
    %ne3A_87 = vector.broadcast %ne3A_86 : i32 to vector<16x4xi32>
    %ne3A_88 = arith.cmpi ne, %rem3A_85, %ne3A_87 : vector<16x4xi32>
    %and3A_89 = arith.andi %ne3A_83, %ne3A_88 : vector<16x4xi1>
    %sub3A = arith.constant 1 : i32
    %sub3A_90 = vector.broadcast %sub3A : i32 to vector<16x4xi32>
    %sub3A_91 = arith.subi %div3A_66, %sub3A_90 : vector<16x4xi32>
    %select_n3A_92 = arith.select %and3A_89, %sub3A_91, %div3A_66 : vector<16x4xi1>, vector<16x4xi32>
    %eq3A_93 = arith.cmpi eq, %select_n3A_92, %iota3A_64 : vector<16x4xi32>
    %jit3A_94 = arith.constant 1.000000e+00 : f32
    %jit3A_95 = arith.constant 0.000000e+00 : f32
    %broadcast_in_dim3A_96 = vector.broadcast %jit3A_94 : f32 to vector<16x4xf32>
    %broadcast_in_dim3A_97 = vector.broadcast %jit3A_95 : f32 to vector<16x4xf32>
    %select_n3A_98 = arith.select %eq3A_93, %broadcast_in_dim3A_96, %broadcast_in_dim3A_97 : vector<16x4xi1>, vector<16x4xf32>
    %dot_general3A = arith.constant dense<0.000000e+00> : vector<512x16xf32>
    %dot_general3A_99 = tpu.matmul %get3A_1, %select_n3A_31, %dot_general3A {dimension_numbers = #tpu.dot_dimension_numbers<[1], [0], [0], [1], [0, 0, 1, 1], [], []>, precision = #tpu.contract_precision<fp32>, transpose_lhs_hint = false} : vector<512x8xf32>, vector<8x16xf32>, vector<512x16xf32> -> vector<512x16xf32>
    %add3A_100 = vector.broadcast %select_n3A_62 : vector<1x16xf32> to vector<512x16xf32>
    %add3A_101 = arith.addf %dot_general3A_99, %add3A_100 : vector<512x16xf32>
    %get3A_102 = arith.constant 0 : index
    %get3A_103 = arith.constant 0 : index
    %get3A_104 = vector.load %arg2[%get3A_102, %get3A_103] : memref<512x128xf32, #tpu.memory_space<vmem>>, vector<512x16xf32>
    %mul3A = arith.mulf %get3A_104, %add3A_101 : vector<512x16xf32>
    %dot_general3A_105 = arith.constant dense<0.000000e+00> : vector<512x4xf32>
    %dot_general3A_106 = tpu.matmul %mul3A, %select_n3A_98, %dot_general3A_105 {dimension_numbers = #tpu.dot_dimension_numbers<[1], [0], [0], [1], [0, 0, 1, 1], [], []>, precision = #tpu.contract_precision<fp32>, transpose_lhs_hint = false} : vector<512x16xf32>, vector<16x4xf32>, vector<512x4xf32> -> vector<512x4xf32>
    %slice3A = vector.extract_strided_slice %dot_general3A_106 {offsets = [1, 0], sizes = [511, 4], strides = [1, 1]} : vector<512x4xf32> to vector<511x4xf32>
    %slice3A_107 = vector.extract_strided_slice %dot_general3A_106 {offsets = [0, 0], sizes = [1, 4], strides = [1, 1]} : vector<512x4xf32> to vector<1x4xf32>
    %concatenate3A = tpu.concatenate %slice3A, %slice3A_107 in 0 : vector<511x4xf32>, vector<1x4xf32> -> vector<512x4xf32>
    %slice3A_108 = vector.extract_strided_slice %dot_general3A_106 {offsets = [511, 0], sizes = [1, 4], strides = [1, 1]} : vector<512x4xf32> to vector<1x4xf32>
    %slice3A_109 = vector.extract_strided_slice %dot_general3A_106 {offsets = [0, 0], sizes = [511, 4], strides = [1, 1]} : vector<512x4xf32> to vector<511x4xf32>
    %concatenate3A_110 = tpu.concatenate %slice3A_108, %slice3A_109 in 0 : vector<1x4xf32>, vector<511x4xf32> -> vector<512x4xf32>
    %iota3A_111 = tpu.iota {dimensions = array<i32: 0>} : vector<512x4xi32>
    %jit3A_112 = arith.constant 32 : i32
    %eq3A_113 = arith.constant 0 : i32
    %eq3A_114 = arith.cmpi eq, %jit3A_112, %eq3A_113 : i32
    %jit3A_115 = arith.constant 1 : i32
    %select_n3A_116 = arith.select %eq3A_114, %jit3A_115, %jit3A_112 : i32
    %rem3A_117 = vector.broadcast %select_n3A_116 : i32 to vector<512x4xi32>
    %rem3A_118 = arith.remsi %iota3A_111, %rem3A_117 : vector<512x4xi32>
    %ne3A_119 = arith.constant 0 : i32
    %ne3A_120 = vector.broadcast %ne3A_119 : i32 to vector<512x4xi32>
    %ne3A_121 = arith.cmpi ne, %rem3A_118, %ne3A_120 : vector<512x4xi32>
    %lt3A_122 = arith.constant 0 : i32
    %lt3A_123 = vector.broadcast %lt3A_122 : i32 to vector<512x4xi32>
    %lt3A_124 = arith.cmpi slt, %rem3A_118, %lt3A_123 : vector<512x4xi32>
    %lt3A_125 = arith.constant 0 : i32
    %lt3A_126 = arith.cmpi slt, %select_n3A_116, %lt3A_125 : i32
    %ne3A_127 = vector.broadcast %lt3A_126 : i1 to vector<512x4xi1>
    %ne3A_128 = vector.broadcast %ne3A_127 : vector<512x4xi1> to vector<512x4xi1>
    %ne3A_129 = arith.xori %lt3A_124, %ne3A_128 : vector<512x4xi1>
    %and3A_130 = arith.andi %ne3A_129, %ne3A_121 : vector<512x4xi1>
    %add3A_131 = vector.broadcast %select_n3A_116 : i32 to vector<512x4xi32>
    %add3A_132 = arith.addi %rem3A_118, %add3A_131 : vector<512x4xi32>
    %select_n3A_133 = arith.select %and3A_130, %add3A_132, %rem3A_118 : vector<512x4xi1>, vector<512x4xi32>
    %eq3A_134 = arith.constant 31 : i32
    %eq3A_135 = vector.broadcast %eq3A_134 : i32 to vector<512x4xi32>
    %eq3A_136 = arith.cmpi eq, %select_n3A_133, %eq3A_135 : vector<512x4xi32>
    %sub3A_137 = arith.subf %dot_general3A_106, %concatenate3A_110 : vector<512x4xf32>
    %sub3A_138 = arith.subf %concatenate3A, %dot_general3A_106 : vector<512x4xf32>
    %select_n3A_139 = arith.select %eq3A_136, %sub3A_137, %sub3A_138 : vector<512x4xi1>, vector<512x4xf32>
    %iota3A_140 = tpu.iota {dimensions = array<i32: 1>} : vector<512x4xi32>
    %lt3A_141 = arith.constant 3 : i32
    %lt3A_142 = vector.broadcast %lt3A_141 : i32 to vector<512x4xi32>
    %lt3A_143 = arith.cmpi slt, %iota3A_140, %lt3A_142 : vector<512x4xi32>
    %jit3A_144 = arith.constant 0.000000e+00 : f32
    %broadcast_in_dim3A_145 = vector.broadcast %jit3A_144 : f32 to vector<512x4xf32>
    %select_n3A_146 = arith.select %lt3A_143, %select_n3A_139, %broadcast_in_dim3A_145 : vector<512x4xi1>, vector<512x4xf32>
    %mul3A_147 = arith.mulf %select_n3A_146, %select_n3A_146 : vector<512x4xf32>
    %reduce_sum3A = arith.constant dense<0.000000e+00> : vector<512xf32>
    %reduce_sum3A_148 = vector.multi_reduction <add>, %mul3A_147, %reduce_sum3A [1] : vector<512x4xf32> to vector<512xf32>
    %broadcast_in_dim3A_149 = vector.shape_cast %reduce_sum3A_148 : vector<512xf32> to vector<512x1xf32>
    %sqrt3A = math.sqrt %broadcast_in_dim3A_149 : vector<512x1xf32>
    %max3A = arith.constant 9.99999996E-13 : f32
    %max3A_150 = vector.broadcast %max3A : f32 to vector<512x1xf32>
    %max3A_151 = arith.maximumf %sqrt3A, %max3A_150 : vector<512x1xf32>
    %div3A_152 = vector.broadcast %max3A_151 : vector<512x1xf32> to vector<512x4xf32>
    %div3A_153 = arith.divf %select_n3A_146, %div3A_152 : vector<512x4xf32>
    %iota3A_154 = tpu.iota {dimensions = array<i32: 1>} : vector<1x4xi32>
    %lt3A_155 = arith.constant 2 : i32
    %lt3A_156 = vector.broadcast %lt3A_155 : i32 to vector<1x4xi32>
    %lt3A_157 = arith.cmpi slt, %iota3A_154, %lt3A_156 : vector<1x4xi32>
    %jit3A_158 = arith.constant -1.000000e+00 : f32
    %jit3A_159 = arith.constant 1.000000e+00 : f32
    %broadcast_in_dim3A_160 = vector.broadcast %jit3A_158 : f32 to vector<1x4xf32>
    %broadcast_in_dim3A_161 = vector.broadcast %jit3A_159 : f32 to vector<1x4xf32>
    %select_n3A_162 = arith.select %lt3A_157, %broadcast_in_dim3A_160, %broadcast_in_dim3A_161 : vector<1x4xi1>, vector<1x4xf32>
    %mul3A_163 = vector.broadcast %select_n3A_162 : vector<1x4xf32> to vector<512x4xf32>
    %mul3A_164 = arith.mulf %dot_general3A_106, %mul3A_163 : vector<512x4xf32>
    %swap3A = arith.constant 0 : index
    %swap3A_165 = arith.constant 0 : index
    %swap3A_166 = vector.load %arg3[%swap3A, %swap3A_165] : memref<512x4xf32, #tpu.memory_space<vmem>>, vector<512x4xf32>
    tpu.vector_store %arg3[%swap3A, %swap3A_165], %mul3A_164 {strides = array<i32>} : memref<512x4xf32, #tpu.memory_space<vmem>>, vector<512x4xf32>,
    %mul3A_167 = vector.broadcast %select_n3A_162 : vector<1x4xf32> to vector<512x4xf32>
    %mul3A_168 = arith.mulf %div3A_153, %mul3A_167 : vector<512x4xf32>
    %swap3A_169 = arith.constant 0 : index
    %swap3A_170 = arith.constant 0 : index
    %swap3A_171 = vector.load %arg4[%swap3A_169, %swap3A_170] : memref<512x4xf32, #tpu.memory_space<vmem>>, vector<512x4xf32>
    tpu.vector_store %arg4[%swap3A_169, %swap3A_170], %mul3A_168 {strides = array<i32>} : memref<512x4xf32, #tpu.memory_space<vmem>>, vector<512x4xf32>,
    return
  }
  func.func @transform_0(%arg0: i32) -> (i32, i32) {
    %c0_i32 = arith.constant 0 : i32
    %c0_i32_0 = arith.constant 0 : i32
    return %arg0, %c0_i32 : i32, i32
  }
  func.func @transform_1(%arg0: i32) -> (i32, i32) {
    %c0_i32 = arith.constant 0 : i32
    %c0_i32_0 = arith.constant 0 : i32
    return %arg0, %c0_i32 : i32, i32
  }
  func.func @transform_2(%arg0: i32) -> (i32, i32) {
    %c0_i32 = arith.constant 0 : i32
    %c0_i32_0 = arith.constant 0 : i32
    return %arg0, %c0_i32 : i32, i32
  }
  func.func @transform_3(%arg0: i32) -> (i32, i32) {
    %c0_i32 = arith.constant 0 : i32
    %c0_i32_0 = arith.constant 0 : i32
    return %arg0, %c0_i32 : i32, i32
  }
}

</mosaic_0001>

<sc_bundles>
// kernel: kernel.6.cloned.1.call-start
scs
__scs_entry_jumppad:
0x0: {  	(pc) =	sbr.rel $0x88, $3  }
0x1: {  	(tag) =	ssettag $0x0;
	lr =	simm.s32 $0x1  }
0x2: {  	[smem:$0x3F9E] =	sst lr;
	_ =	strace $0xD0000000  }
0x3: {  	_ = 	snop  }
0x4: {  	_ = 	snop  }
0x5: {  	_ = 	snop  }
0x6: {  	_ = 	snop  }
0x7: {  	_ = 	snop  }
__scs_overlays_trampoline_lowered:
0x8: {  	[smem:$0x3FAD] =	sst s0  }
0x9: {  	[smem:$0x3FAE] =	sst s1  }
0xa: {  	[smem:$0x3FAF] =	sst s2  }
0xb: {  	[smem:$0x3FB0] =	sst s3  }
0xc: {  	[smem:$0x3FB1] =	sst s4  }
0xd: {  	[smem:$0x3FB2] =	sst s5  }
0xe: {  	[smem:$0x3FB3] =	sst s6  }
0xf: {  	[smem:$0x3FB4] =	sst s7  }
0x10: {  	[smem:$0x3FB5] =	sst s8  }
0x11: {  	[smem:$0x3FB6] =	sst s9;
	s0 =	simm.s32 @!p0 $0x0  }
0x12: {  	s1 =	sld [smem:$0x3F9C];
	s0 =	simm.s32 @p0 $0x1  }
0x13: {  	[smem:$0x3FB7] =	sst s0;
	s0 =	simm.s32 @!p1 $0x0  }
0x14: {  	s2 =	sld [smem:$0x3F9B];
	s0 =	simm.s32 @p1 $0x1  }
0x15: {  	[smem:$0x3FB8] =	sst s0;
	s0 =	simm.s32 @!p2 $0x0  }
0x16: {  	s3 =	sld [smem:$0x3FDB];
	s0 =	simm.s32 @p2 $0x1  }
0x17: {  	s4 =	simm.s32 $0x1BF5;
	[smem:$0x3FBA] =	sst s0  }
0x18: {  	s0 =	sld [smem:$0x3F9D];
	_ =	swait.ge [sflag:s4], $0x0  }
0x19: {  	s7 =	sld [smem:$0x3F9E]  }
0x1a: {  	s8 =	sadd.s32 $0xFFFFE003, lr  }
0x1b: {  	s9 =	sadd.s32 $0xFFFFFEF7, lr;
	s5 =	simm.s32 $0xFFFFFFFF;
	p2 =	slt.u32 s8, $0xFFFFF086  }
0x1c: {  	p1 =	slt.u32 s9, $0xF7A;
	s5 =	simm.s32 @!p2 $0x0  }
0x1d: {  	s5 =	simm.s32 @p1 $0x1;
	p0 =	seq.s32 s7, s2  }
0x1e: {  	s7 =	smul.u32 @!p0 $0xF7A, s2;
	p2 =	seq.s32 @!p0 s5, $0x0  }
0x1f: {  	s9 =	smul.u32 $0xF7A, s1;
	s8 =	simm.s32 @!p0 $0x1BF5;
	p2 =	por !p2, p0  }
0x20: {  	[sflag:s8] =	ssyncset.s32 @!p0 $0xFFFFF086;
	s6 =	sadd.s32 @!p0 s3, s7;
	s7 =	simm.s32 @!p0 $0x108  }
0x21: {  	s3 =	sadd.s32 s3, s9;
	s6 =	sadd.s32 @!p0 $0x88, s6;
	s7 =	simm.s32 @p2 $0x1082  }
0x22: {  	[simem:s7], [sflag:s8] =	dma.local @!p0 [hbm:s6], $0xF7A  }
0x23: {  	s9 =	sor.u32 $0xD0000000, s2;
	s6 =	simm.s32 $0x108;
	_ =	swait.ge @!p0 [sflag:s8], $0x0  }
0x24: {  	s3 =	sadd.s32 $0x88, s3;
	s6 =	simm.s32 @!p1 $0x1082;
	[sflag:s4] =	ssyncset.s32 $0xFFFFF086  }
0x25: {  	[simem:s6], [sflag:s4] =	dma.local [hbm:s3], $0xF7A  }
0x26: {  	[smem:$0x3F9E] =	sst s1;
	(tag) =	ssettag s2;
	_ =	strace s9  }
0x27: {  	s1 =	sld [smem:$0x3FAE]  }
0x28: {  	s2 =	sld [smem:$0x3FAF]  }
0x29: {  	s4 =	sld [smem:$0x3FB1]  }
0x2a: {  	p0 =	seq.s32 s5, $0x0;
	s5 =	sld [smem:$0x3FB2]  }
0x2b: {  	s6 =	sld [smem:$0x3FB3]  }
0x2c: {  	s7 =	sld [smem:$0x3FB4]  }
0x2d: {  	s3 =	simm.s32 $0x108;
	s8 =	sld [smem:$0x3FB5]  }
0x2e: {  	s3 =	simm.s32 @!p0 $0x1082;
	s9 =	sld [smem:$0x3FB6]  }
0x2f: {  	lr =	sadd.s32 s0, s3;
	s0 =	sld [smem:$0x3FAD]  }
0x30: {  	s3 =	sld [smem:$0x3FB0]  }
0x31: {  	[smem:$0x3FB9] =	sst s10  }
0x32: {  	s10 =	sld [smem:$0x3FB7];
	_ =	sdelay $0x3  }
0x33: {  	p0 =	seq.s32 s10, $0x1;
	s10 =	sld [smem:$0x3FB9];
	_ =	sdelay $0x3  }
0x34: {  	[smem:$0x3FB9] =	sst s10  }
0x35: {  	s10 =	sld [smem:$0x3FB8];
	_ =	sdelay $0x3  }
0x36: {  	p1 =	seq.s32 s10, $0x1;
	s10 =	sld [smem:$0x3FB9];
	_ =	sdelay $0x3  }
0x37: {  	[smem:$0x3FB9] =	sst s10  }
0x38: {  	s10 =	sld [smem:$0x3FBA]  }
0x39: {  	_ = 	snop;
	(pc) =	sbr.ind lr, $3  }
0x3a: {  	_ = 	snop  }
0x3b: {  	_ = 	snop  }
0x3c: {  	p2 =	seq.s32 s10, $0x1;
	s10 =	sld [smem:$0x3FB9]  }
0x3d: {  	_ =	shalt  }
0x3e: {  	_ =	shalt  }
0x3f: {  	_ =	shalt  }
0x40: {  	_ =	shalt  }
0x41: {  	_ =	shalt  }
0x42: {  	_ =	shalt  }
0x43: {  	_ =	shalt  }
0x44: {  	_ =	shalt  }
0x45: {  	_ =	shalt  }
0x46: {  	_ =	shalt  }
0x47: {  	_ =	shalt  }
0x48: {  	_ =	shalt  }
0x49: {  	_ =	shalt  }
0x4a: {  	_ =	shalt  }
0x4b: {  	_ =	shalt  }
0x4c: {  	_ =	shalt  }
0x4d: {  	_ =	shalt  }
0x4e: {  	_ =	shalt  }
0x4f: {  	_ =	shalt  }
0x50: {  	_ =	shalt  }
0x51: {  	_ =	shalt  }
0x52: {  	_ =	shalt  }
0x53: {  	_ =	shalt  }
0x54: {  	_ =	shalt  }
0x55: {  	_ =	shalt  }
0x56: {  	_ =	shalt  }
0x57: {  	_ =	shalt  }
0x58: {  	_ =	shalt  }
0x59: {  	_ =	shalt  }
0x5a: {  	_ =	shalt  }
0x5b: {  	_ =	shalt  }
0x5c: {  	_ =	shalt  }
0x5d: {  	_ =	shalt  }
0x5e: {  	_ =	shalt  }
0x5f: {  	_ =	shalt  }
0x60: {  	_ =	shalt  }
0x61: {  	_ =	shalt  }
0x62: {  	_ =	shalt  }
0x63: {  	_ =	shalt  }
0x64: {  	_ =	shalt  }
0x65: {  	_ =	shalt  }
0x66: {  	_ =	shalt  }
0x67: {  	_ =	shalt  }
0x68: {  	_ =	shalt  }
0x69: {  	_ =	shalt  }
0x6a: {  	_ =	shalt  }
0x6b: {  	_ =	shalt  }
0x6c: {  	_ =	shalt  }
0x6d: {  	_ =	shalt  }
0x6e: {  	_ =	shalt  }
0x6f: {  	_ =	shalt  }
0x70: {  	_ =	shalt  }
0x71: {  	_ =	shalt  }
0x72: {  	_ =	shalt  }
0x73: {  	_ =	shalt  }
0x74: {  	_ =	shalt  }
0x75: {  	_ =	shalt  }
0x76: {  	_ =	shalt  }
0x77: {  	_ =	shalt  }
0x78: {  	_ =	shalt  }
0x79: {  	_ =	shalt  }
0x7a: {  	_ =	shalt  }
0x7b: {  	_ =	shalt  }
0x7c: {  	_ =	shalt  }
0x7d: {  	_ =	shalt  }
0x7e: {  	_ =	shalt  }
0x7f: {  	_ =	shalt  }
0x80: {  	_ =	shalt  }
0x81: {  	_ =	shalt  }
0x82: {  	_ =	shalt  }
0x83: {  	_ =	shalt  }
0x84: {  	_ =	shalt  }
0x85: {  	_ =	shalt  }
0x86: {  	_ =	shalt  }
0x87: {  	_ =	shalt  }
.Lfunc_end0:
.L_simem_size_0:
called_computation_lowered:
.L_overlay_start_0:
0x88: {  	s2 =	sld [smem:$0x3FD9]  }
0x89: {  	s3 =	sld [smem:$0x3FFE];
	_ =	sdelay $0x1  }
0x8a: {  	s1 =	srdreg.scid  }
0x8b: {  	s0 =	sand.u32 $0x1, s1  }
0x8c: {  	s14 =	sshll.u32 s0, $0xA;
	s2 =	sadd.s32 s3, s2  }
0x8d: {  	s2 =	sadd.s32 s2, s14  }
0x8e: {  	[smem:$0x3FC5] =	sst s2  }
0x8f: {  	_ = 	snop  }
0x90: {  	s2 =	sld [smem:$0x3FD0];
	_ =	sdelay $0x2  }
0x91: {  	s15 =	simm.s32 $0xA;
	s4 =	simm.s32 $0x10  }
0x92: {  	[smem:s4], [sflag:s15] =	dma.local [hbm:s2], $0x1  }
0x93: {  	_ =	swait.eq [sflag:s15], $0x1  }
0x94: {  	[sflag:s15] =	ssyncset.done $0x0  }
0x95: {  	[sflag:s15] =	ssyncadd.s32 $0xFFFFFFFF  }
0x96: {  	s16 =	sld [smem:$0x11];
	(tm) =	ssettm $0x1  }
0x97: {  	s17 =	sld [smem:$0x3FFB];
	_ =	sdelay $0x3  }
0x98: {  	_ =	strace s17  }
0x99: {  	s3 =	sld [smem:$0x3FFC];
	_ =	sdelay $0x3  }
0x9a: {  	_ =	strace s3  }
0x9b: {  	s3 =	sld [smem:$0x3FFD];
	_ =	sdelay $0x3  }
0x9c: {  	_ =	strace s3  }
0x9d: {  	_ =	strace $0x8FFFFFFF  }
0x9e: {  	s18 =	sld [smem:$0x3FDB];
	_ =	sdelay $0x1  }
0x9f: {  	s19 =	simm.s32 $_scs_section_size  }
0xa0: {  	s5 =	simm.s32 $_size__tile_overlayer_lowered;
	s6 =	simm.s32 $_tile_overlayer_lowered  }
0xa1: {  	s22 =	simm.s32 $0x1BFF;
	s21 =	sshll.u32 s6, $0x1;
	s3 =	sadd.s32 s19, s18  }
0xa2: {  	s7 =	simm.s32 $0x0;
	s20 =	sshll.u32 s5, $0x1;
	s5 =	sadd.s32 s21, s3  }
0xa3: {  	[timem:s7], [sflag:s22] =	dma.local [hbm:s5], s20  }
0xa4: {  	_ =	swait.ge [sflag:s22], s20  }
0xa5: {  	s4 =	ssub.s32 $0x0, s20;
	[sflag:s22] =	ssyncset.done $0x0  }
0xa6: {  	[sflag:s22] =	ssyncadd.s32 s4;
	_ =	sdelay $0x1  }
0xa7: {  	s23 =	simm.s32 $0x1B8B  }
0xa8: {  	_ =	swait.ge [sflag:s23], $0x1  }
0xa9: {  	[sflag:s23] =	ssyncset.done $0x0  }
0xaa: {  	s25 =	simm.s32 $0x1B8E;
	s24 =	sld [smem:$0x3FFE];
	[sflag:s23] =	ssyncadd.s32 $0xFFFFFFFF  }
0xab: {  	s26 =	simm.s32 $execute0_lowered;
	[smem:$0x3FD2] =	sst s25  }
0xac: {  	s5 =	sshll.u32 s26, $0x1;
	_ =	strace $0x80000046;
	[dreg:$0x1] =	wrdreg $0xFFFFFFFF  }
0xad: {  	s28 =	simm.s32 $_size_execute0_lowered;
	s3 =	sadd.s32 s3, s5;
	[dreg:$0x0] =	wrdreg $0x0  }
0xae: {  	s5 =	sshll.u32 s28, $0x1;
	[dreg:$0x2] =	wrdreg s3  }
0xaf: {  	[dreg:$0x3] =	wrdreg s5  }
0xb0: {  	[dreg:$0x4] =	wrdreg $0xC0  }
0xb1: {  	_ =	task [dreg:s7], $0x5FFFF  }
0xb2: {  	[dreg:$0x1] =	wrdreg $0xFFFFFFFF  }
0xb3: {  	[dreg:$0x0] =	wrdreg $0x60  }
0xb4: {  	[dreg:$0x2] =	wrdreg s24  }
0xb5: {  	[dreg:$0x3] =	wrdreg s16  }
0xb6: {  	[dreg:$0x4] =	wrdreg $0x9  }
0xb7: {  	_ =	task.clear_ibuf [dreg:s7], $0x5FFFF;
	_ =	strace $0x90000046  }
0xb8: {  	s29 =	simm.s32 $0x9;
	_ =	strace $0x80000048  }
0xb9: {  	_ =	swait.ge [sflag:s29], $0x1  }
0xba: {  	[sflag:s29] =	ssyncadd.s32 $0xFFFFFFFF  }
0xbb: {  	_ =	strace $0x90000048  }
0xbc: {  	_ =	sfence  }
0xbd: {  	s30 =	sld [smem:$0x0];
	_ =	sdelay $0x2  }
0xbe: {  	s31 =	sshll.u32 s1, $0xD;
	s1 =	sshrl.u32 s1, $0x2  }
0xbf: {  	s3 =	sand.u32 $0x4000, s31;
	s1 =	sadd.s32 s1, s30  }
0xc0: {  	s0 =	sor.u32 s3, s0;
	s1 =	sshll.u32 s1, $0x11  }
0xc1: {  	s0 =	sor.u32 s1, s0  }
0xc2: {  	s0 =	sadd.s32 $0x8F2B, s0  }
0xc3: {  	[sflag:s0] =	ssyncadd.remote.s32 $0x1  }
0xc4: {  	_ =	sfence.sel $0xFFFF  }
0xc5: {  	[dreg:$0x0] =	wrdreg $0xFFFFFFFF;
	(pc) =	sbr.abs _section_cstart, $3  }
0xc6: {  	[dreg:$0x1] =	wrdreg $0xFFFFFFFF  }
0xc7: {  	_ =	task.clear_ibuf [dreg:s7], $0x2FFFF;
	_ =	strace $0x9FFFFFFF  }
0xc8: {  	(tm) =	ssettm $0x7FFFFFFF  }
0xc9: {  	_ =	shalt  }
tec
execute0_lowered:
.L_overlay_start_1:
0x0: {  	(tag) =	ssettag $0x1  }
0x1: {  	s14 =	rddreg [dreg:$0x0]  }
0x2: {  	s1 =	srdreg.scid;
	s0 =	stileid.u32  }
0x3: {  	s3 =	rddreg [dreg:$0x1];
	s15 =	sand.u32 $0x1, s1;
	s4 =	sshll.u32 s0, $0x1  }
0x4: {  	s2 =	simm.s32 $0x0;
	s1 =	rddreg [dreg:$0x2];
	s16 =	sor.u32 s15, s4  }
0x5: {  	[smem:$0x7FF] =	sst s2;
	s4 =	sshll.u32 s16, $0x6  }
0x6: {  	_ =	strace $0x80000047;
	s4 =	sadd.s32 s3, s4;
	s3 =	simm.s32 $0x2  }
0x7: {  	[tilespmem:s2], [sflag:$0x2] =	stream.linear.gather [hbm4b:s4+s2], $0x200, $0x38;
	[tilespmem:$0x10200] =	vst v63  }
0x8: {  	_ =	swait.ge [sflag:s3], $0x200  }
0x9: {  	s6 =	simm.s32 $0x80;
	[sflag:s3] =	ssyncset.done $0x0  }
0xa: {  	s7 =	simm.s32 $0x200;
	s5 =	sadd.s32 $0x200, s14;
	[sflag:s3] =	ssyncadd.s32 $0xFFFFFE00  }
0xb: {  	[tilespmem:s7], [sflag:$0x1] =	stream.indirect.gather [hbm4b:s5+s6], $0x80, s2, s6, $0xb8;
	[tilespmem:$0x10200] =	vst v63  }
0xc: {  	s8 =	simm.s32 $0x4200  }
0xd: {  	[tilespmem:s8], [sflag:$0x1] =	stream.indirect.gather [hbm4b:s5+s6], $0x80, s6, s6, $0xb8;
	[tilespmem:$0x10200] =	vst v63  }
0xe: {  	s9 =	simm.s32 $0x100;
	s10 =	simm.s32 $0x8200  }
0xf: {  	[tilespmem:s10], [sflag:$0x1] =	stream.indirect.gather [hbm4b:s5+s6], $0x80, s9, s6, $0xb8;
	[tilespmem:$0x10200] =	vst v63  }
0x10: {  	s11 =	simm.s32 $0x180;
	s12 =	simm.s32 $0xC200;
	s13 =	simm.s32 $0x1  }
0x11: {  	[tilespmem:s12], [sflag:$0x1] =	stream.indirect.gather [hbm4b:s5+s6], $0x80, s11, s6, $0xb8;
	[tilespmem:$0x10200] =	vst v63  }
0x12: {  	_ =	swait.ge [sflag:s13], $0x4000  }
0x13: {  	[sflag:s13] =	ssyncset.done $0x0  }
0x14: {  	[sflag:s13] =	ssyncadd.s32 $0xFFFFC000  }
0x15: {  	_ =	swait.ge [sflag:s13], $0x4000  }
0x16: {  	[sflag:s13] =	ssyncset.done $0x0  }
0x17: {  	s15 =	ssub.s32 $0x2, s15;
	[sflag:s13] =	ssyncadd.s32 $0xFFFFC000  }
0x18: {  	s17 =	sshrl.u32 s15, $0x1;
	_ =	swait.ge [sflag:s13], $0x4000  }
0x19: {  	s15 =	ssub.s32 s15, s17;
	[sflag:s13] =	ssyncset.done $0x0  }
0x1a: {  	s15 =	smax.u32 s15, $0x1;
	[sflag:s13] =	ssyncadd.s32 $0xFFFFC000  }
0x1b: {  	s16 =	sshll.u32 s16, $0xD;
	p0 =	sne.s32 s15, $0x1;
	_ =	swait.ge [sflag:s13], $0x4000  }
.Ltmp0:
0x1c: {  	s14 =	sadd.s32 s16, s14;
	[sflag:s13] =	ssyncset.done $0x0;
	(pc) =	sbr.rel @!p0 .LBB2_2-.Ltmp0, $4  }
0x1d: {  	s14 =	sadd.s32 $0x5B200, s14;
	[sflag:s13] =	ssyncadd.s32 $0xFFFFC000  }
0x1e: {  	[hbm4b:s14+s2] =	stream.linear.scatter [tilespmem:s7], [sflag:$0x2], $0x10000, $0x38;
	[tilespmem:$0x10200] =	vst v63  }
0x1f: {  	_ =	swait.ge [sflag:s3], $0x10000  }
0x20: {  	s15 =	sadd.s32 $0xFFFFFFFF, s15;
	[sflag:s3] =	ssyncset.done $0x0  }
.LBB2_1:
0x21: {  	p0 =	sne.s32 s15, $0x1;
	s15 =	sadd.s32 $0xFFFFFFFF, s15;
	[sflag:s3] =	ssyncadd.s32 $0xFFFF0000  }
0x22: {  	[tilespmem:s2], [sflag:$0x2] =	stream.linear.gather [hbm4b:s4+s2], $0x200, $0x38;
	[tilespmem:$0x10200] =	vst v63  }
0x23: {  	_ =	swait.ge [sflag:s3], $0x200  }
0x24: {  	[sflag:s3] =	ssyncset.done $0x0  }
0x25: {  	[sflag:s3] =	ssyncadd.s32 $0xFFFFFE00  }
0x26: {  	[tilespmem:s7], [sflag:$0x1] =	stream.indirect.gather [hbm4b:s5+s6], $0x80, s2, s6, $0xb8;
	[tilespmem:$0x10200] =	vst v63  }
0x27: {  	_ = 	snop  }
0x28: {  	[tilespmem:s8], [sflag:$0x1] =	stream.indirect.gather [hbm4b:s5+s6], $0x80, s6, s6, $0xb8;
	[tilespmem:$0x10200] =	vst v63  }
0x29: {  	_ = 	snop  }
0x2a: {  	[tilespmem:s10], [sflag:$0x1] =	stream.indirect.gather [hbm4b:s5+s6], $0x80, s9, s6, $0xb8;
	[tilespmem:$0x10200] =	vst v63  }
0x2b: {  	_ = 	snop  }
0x2c: {  	[tilespmem:s12], [sflag:$0x1] =	stream.indirect.gather [hbm4b:s5+s6], $0x80, s11, s6, $0xb8;
	[tilespmem:$0x10200] =	vst v63  }
0x2d: {  	_ =	swait.ge [sflag:s13], $0x4000  }
0x2e: {  	[sflag:s13] =	ssyncset.done $0x0  }
0x2f: {  	[sflag:s13] =	ssyncadd.s32 $0xFFFFC000  }
0x30: {  	_ =	swait.ge [sflag:s13], $0x4000  }
0x31: {  	[sflag:s13] =	ssyncset.done $0x0  }
0x32: {  	[sflag:s13] =	ssyncadd.s32 $0xFFFFC000  }
0x33: {  	_ =	swait.ge [sflag:s13], $0x4000  }
0x34: {  	[sflag:s13] =	ssyncset.done $0x0  }
0x35: {  	[sflag:s13] =	ssyncadd.s32 $0xFFFFC000  }
0x36: {  	_ =	swait.ge [sflag:s13], $0x4000  }
.Ltmp1:
0x37: {  	[sflag:s13] =	ssyncset.done $0x0;
	(pc) =	sbr.rel @p0 .LBB2_1-.Ltmp1, $4  }
0x38: {  	[sflag:s13] =	ssyncadd.s32 $0xFFFFC000  }
0x39: {  	[hbm4b:s14+s2] =	stream.linear.scatter [tilespmem:s7], [sflag:$0x2], $0x10000, $0x38;
	[tilespmem:$0x10200] =	vst v63  }
0x3a: {  	_ =	swait.ge [sflag:s3], $0x10000  }
0x3b: {  	[sflag:s3] =	ssyncset.done $0x0  }
.LBB2_2:
0x3c: {  	[sflag:s3] =	ssyncadd.s32 $0xFFFF0000  }
0x3d: {  	_ =	sfence.sel $0x180000  }
0x3e: {  	[bflag:$0x0] =	sbarrier.arrive $0xFFFF  }
0x3f: {  	p0 =	sne.s32 s0, $0x0;
	_ =	strace $0x90000047  }
0x40: {  	s0 =	sadd.s32 @!p0 $0x100000, s1;
	[bflag:$0x2] =	sbarrier.arrive $0xFFFF  }
0x41: {  	[sflag:s0] =	ssyncadd.tile.s32 @!p0 $0x1;
	_ =	shalt  }
.Lfunc_end2:
_tile_overlayer_lowered:
.L_overlay_start_2:
0x42: {  	(tag) =	ssettag $0x2  }
0x43: {  	s0 =	rddreg [dreg:$0x0];
	s2 =	stileid.u32  }
0x44: {  	s1 =	rddreg [dreg:$0x1];
	p0 =	sne.s32 s2, $0x0  }
0x45: {  	s3 =	rddreg [dreg:$0x2];
	[bflag:$0x3] =	sbarrier.arrive $0xFFFF;
	s2 =	simm.s32 @!p0 $0x1C02  }
0x46: {  	[timem:s3], [sflag:s2] =	dma.local @!p0 [hbm:s0], s1  }
0x47: {  	s0 =	simm.s32 @!p0 $0x2  }
0x48: {  	_ =	swait.ge @!p0 [sflag:s0], s1  }
0x49: {  	s1 =	ssub.s32 @!p0 $0x0, s1;
	[sflag:s0] =	ssyncset.done @!p0 $0x0  }
0x4a: {  	[sflag:s0] =	ssyncadd.s32 @!p0 s1  }
0x4b: {  	[bflag:$0x3] =	sbarrier.arrive $0xFFFF  }
0x4c: {  	_ =	shalt  }

</sc_bundles>
